<compile_context>
chip_gen: v7x
topology: tpu7x:2x2x1
jax: 0.10.2.dev20260603
libtpu: 0.0.44.dev20260713+nightly
codegen_flags: <defaults>
</compile_context>

<pallas_src>
import functools
import math

import jax
import jax.numpy as jnp
from jax.experimental import pallas as pl
from jax.experimental.pallas import tpu as pltpu
from jax.experimental.pallas import tpu_sc as plsc

_N = 20000
_NP = 20480
_K = 2000
_KP = 2048
_POST = 1000
_BLK = 128
_THR = 0.7
_MIN_SIZE = 1e-3
_IMG = 1024.0
_BBOX_CLIP = math.log(1000.0 / 16.0)
_NEG = -1e9


def _decode_body(a_ref, d_ref, s_ref, box_ref, msc_ref):
    x1 = a_ref[0:1, :]
    y1 = a_ref[1:2, :]
    x2 = a_ref[2:3, :]
    y2 = a_ref[3:4, :]
    w = x2 - x1
    h = y2 - y1
    cx = x1 + 0.5 * w
    cy = y1 + 0.5 * h
    dx = d_ref[0:1, :]
    dy = d_ref[1:2, :]
    dw = jnp.minimum(d_ref[2:3, :], _BBOX_CLIP)
    dh = jnp.minimum(d_ref[3:4, :], _BBOX_CLIP)
    pcx = dx * w + cx
    pcy = dy * h + cy
    pw = jnp.exp(dw) * w
    ph = jnp.exp(dh) * h
    bx1 = jnp.clip(pcx - 0.5 * pw, 0.0, _IMG)
    by1 = jnp.clip(pcy - 0.5 * ph, 0.0, _IMG)
    bx2 = jnp.clip(pcx + 0.5 * pw, 0.0, _IMG)
    by2 = jnp.clip(pcy + 0.5 * ph, 0.0, _IMG)
    box_ref[0:1, :] = bx1
    box_ref[1:2, :] = by1
    box_ref[2:3, :] = bx2
    box_ref[3:4, :] = by2
    valid = ((bx2 - bx1) >= _MIN_SIZE) & ((by2 - by1) >= _MIN_SIZE)
    msc_ref[...] = jnp.where(valid, s_ref[...], _NEG)


def _nms_body(rows_ref, cols_ref, sc_ref, keep_ref, cand_ref):
    cand_ref[:, 0:4] = cols_ref[...]
    cand_ref[:, 4:5] = sc_ref[...]
    x1c = cols_ref[:, 0:1]
    y1c = cols_ref[:, 1:2]
    x2c = cols_ref[:, 2:3]
    y2c = cols_ref[:, 3:4]
    ac = (x2c - x1c) * (y2c - y1c)
    keep_ref[...] = jnp.zeros((1, _KP), jnp.float32)
    qi = jax.lax.broadcasted_iota(jnp.int32, (_BLK, _BLK), 0)
    pi = jax.lax.broadcasted_iota(jnp.int32, (_BLK, _BLK), 1)
    for b in range(_KP // _BLK):
        lo = b * _BLK
        x1r = rows_ref[0:1, lo:lo + _BLK]
        y1r = rows_ref[1:2, lo:lo + _BLK]
        x2r = rows_ref[2:3, lo:lo + _BLK]
        y2r = rows_ref[3:4, lo:lo + _BLK]
        ar = (x2r - x1r) * (y2r - y1r)
        ltx = jnp.maximum(x1c, x1r)
        lty = jnp.maximum(y1c, y1r)
        rbx = jnp.minimum(x2c, x2r)
        rby = jnp.minimum(y2c, y2r)
        wx = jnp.maximum(rbx - ltx, 0.0)
        wy = jnp.maximum(rby - lty, 0.0)
        inter = wx * wy
        iou = inter / (ac + ar - inter + 1e-9)
        c_blk = jnp.where(iou > _THR, 1.0, 0.0)
        kept = keep_ref[...]
        sup0 = jnp.dot(kept, c_blk, preferred_element_type=jnp.float32)
        init = jnp.where(sup0 > 0.0, 0.0, 1.0)
        w_tri = jnp.where(qi < pi, jax.lax.slice(c_blk, (lo, 0), (lo + _BLK, _BLK)), 0.0)

        def cond(carry):
            return carry[1]

        def body(carry):
            k = carry[0]
            supp = jnp.dot(k, w_tri, preferred_element_type=jnp.float32)
            kn = init * jnp.where(supp > 0.0, 0.0, 1.0)
            return kn, jnp.any(kn != k)

        k_fin, _ = jax.lax.while_loop(cond, body, (init, jnp.bool_(True)))
        keep_ref[0:1, lo:lo + _BLK] = k_fin


def _decode_all(a_t, d_t, s_row):
    return pl.pallas_call(
        _decode_body,
        out_shape=[
            jax.ShapeDtypeStruct((4, _NP), jnp.float32),
            jax.ShapeDtypeStruct((1, _NP), jnp.float32),
        ],
    )(a_t, d_t, s_row)


def _nms_keep_mask(rows, cols, scores_col):
    return pl.pallas_call(
        _nms_body,
        out_shape=[
            jax.ShapeDtypeStruct((1, _KP), jnp.float32),
            jax.ShapeDtypeStruct((_KP, _CAND_W), jnp.float32),
        ],
    )(rows, cols, scores_col)


_SEL_PAD = 1024
_SEL_PER_TILE = _SEL_PAD // 32
_CAND_W = 128


@functools.partial(
    pl.kernel,
    mesh=plsc.VectorSubcoreMesh(core_axis_name="c", subcore_axis_name="s"),
    out_type=jax.ShapeDtypeStruct((_SEL_PAD, _CAND_W), jnp.float32),
    scratch_types=[
        pltpu.VMEM((_SEL_PER_TILE,), jnp.int32),
        pltpu.VMEM((_SEL_PER_TILE, _CAND_W), jnp.float32),
        pltpu.SemaphoreType.DMA,
    ],
)
def _sc_select(tab_hbm, idx_hbm, out_hbm, idx_v, rows_v, sem):
    wid = jax.lax.axis_index("s") * 2 + jax.lax.axis_index("c")
    base = wid * _SEL_PER_TILE
    pltpu.sync_copy(idx_hbm.at[pl.ds(base, _SEL_PER_TILE)], idx_v)
    pltpu.async_copy(tab_hbm.at[idx_v], rows_v, sem).wait()
    pltpu.sync_copy(rows_v, out_hbm.at[pl.ds(base, _SEL_PER_TILE)])


def kernel(anchors, deltas, scores):
    a_t = jnp.zeros((4, _NP), jnp.float32).at[:, :_N].set(anchors.T)
    d_t = jnp.zeros((4, _NP), jnp.float32).at[:, :_N].set(deltas.T)
    s_row = jnp.zeros((1, _NP), jnp.float32).at[0, :_N].set(scores)
    boxes_t, msc = _decode_all(a_t, d_t, s_row)
    top_scores, top_idx = jax.lax.top_k(msc[0, :_N], _K)
    tb_rows = jnp.zeros((4, _KP), jnp.float32).at[:, :_K].set(boxes_t[:, top_idx])
    tb_cols = tb_rows.T
    scores_col = jnp.zeros((_KP, 1), jnp.float32).at[:_K, 0].set(top_scores)
    keep, cand = _nms_keep_mask(tb_rows, tb_cols, scores_col)
    sel = jnp.where(keep[0, :_K] > 0.5, top_scores, _NEG)
    _, final_idx = jax.lax.top_k(sel, _POST)
    fidx = jnp.zeros((_SEL_PAD,), jnp.int32).at[:_POST].set(final_idx)
    out_rows = _sc_select(cand, fidx)
    return out_rows[:_POST, :5]

# --- scband reference (transcript-rebuilt; emitter-appended) ---
"""Pipeline reference for scband-custom-faster-rcnn-44032004718818 (READ-ONLY COPY).

The authoritative reference and input builder live on the scoring server;
editing this copy changes nothing except your own understanding.
"""

import jax, jax.numpy as jnp
import numpy as np
import math

N = 20000
PRE_NMS = 2000
POST_NMS = 1000
NMS_THRESH = 0.7
MIN_SIZE = 1e-3
IMG = 1024.0
BBOX_CLIP = math.log(1000.0 / 16.0)
NEG = -1e9


def setup_inputs(seed: int = 0) -> dict:
    key = jax.random.key(seed)
    k1, k2, k3, k4, k5, k6 = jax.random.split(key, 6)
    x1 = jax.random.uniform(k1, (N,)) * (IMG - 128.0)
    y1 = jax.random.uniform(k2, (N,)) * (IMG - 128.0)
    w = jax.random.uniform(k3, (N,)) * 112.0 + 16.0
    h = jax.random.uniform(k4, (N,)) * 112.0 + 16.0
    anchors = jnp.stack([x1, y1, x1 + w, y1 + h], axis=1)
    deltas = jax.random.normal(k5, (N, 4)) * 0.1
    scores = jax.random.normal(k6, (N,))
    return {"anchors": anchors, "deltas": deltas, "scores": scores}


def _decode(anchors, deltas):
    # BoxCoder.decode with weights (1,1,1,1), matching the torch reference
    widths = anchors[:, 2] - anchors[:, 0]
    heights = anchors[:, 3] - anchors[:, 1]
    ctr_x = anchors[:, 0] + 0.5 * widths
    ctr_y = anchors[:, 1] + 0.5 * heights
    dx = deltas[:, 0]
    dy = deltas[:, 1]
    dw = jnp.minimum(deltas[:, 2], BBOX_CLIP)
    dh = jnp.minimum(deltas[:, 3], BBOX_CLIP)
    pred_ctr_x = dx * widths + ctr_x
    pred_ctr_y = dy * heights + ctr_y
    pred_w = jnp.exp(dw) * widths
    pred_h = jnp.exp(dh) * heights
    boxes = jnp.stack([
        pred_ctr_x - 0.5 * pred_w,
        pred_ctr_y - 0.5 * pred_h,
        pred_ctr_x + 0.5 * pred_w,
        pred_ctr_y + 0.5 * pred_h,
    ], axis=1)
    # clip to image
    boxes = jnp.clip(boxes, 0.0, IMG)
    return boxes


def _pairwise_iou(b):
    area = (b[:, 2] - b[:, 0]) * (b[:, 3] - b[:, 1])
    lt = jnp.maximum(b[:, None, :2], b[None, :, :2])
    rb = jnp.minimum(b[:, None, 2:], b[None, :, 2:])
    wh = jnp.maximum(rb - lt, 0.0)
    inter = wh[..., 0] * wh[..., 1]
    return inter / (area[:, None] + area[None, :] - inter + 1e-9)


def _nms_keep(iou):
    K = iou.shape[0]
    idx = jnp.arange(K)

    def body(i, keep):
        supp = jnp.any((idx < i) & keep & (iou[i] > NMS_THRESH))
        return keep.at[i].set(jnp.logical_not(supp))

    return jax.lax.fori_loop(0, K, body, jnp.ones((K,), dtype=bool))


def reference(anchors, deltas, scores):
    boxes = _decode(anchors, deltas)
    # remove small boxes (min_size filter) by masking scores
    ws = boxes[:, 2] - boxes[:, 0]
    hs = boxes[:, 3] - boxes[:, 1]
    valid = (ws >= MIN_SIZE) & (hs >= MIN_SIZE)
    sc = jnp.where(valid, scores, NEG)
    # pre-NMS top-k (per image, here batch of 1 image worth of proposals)
    top_scores, top_idx = jax.lax.top_k(sc, PRE_NMS)
    top_boxes = boxes[top_idx]
    # greedy NMS (scores already sorted descending by top_k)
    iou = _pairwise_iou(jax.lax.stop_gradient(top_boxes))
    keep = _nms_keep(iou)
    sel = jnp.where(keep, top_scores, NEG)
    _, final_idx = jax.lax.top_k(sel, POST_NMS)
    out_boxes = top_boxes[final_idx]
    out_scores = top_scores[final_idx]
    return jnp.concatenate([out_boxes, out_scores[:, None]], axis=1)

if __name__ == "__main__":
    import jax
    _d = setup_inputs()
    print(jax.jit(kernel)(*tuple(_d.values())))

</pallas_src>

<mosaic_0001>
#map = affine_map<(d0, d1) -> (0, 0)>
#map1 = affine_map<(d0, d1) -> (0)>
module attributes {stable_mosaic.version = 14 : i64} {
  func.func @_sc_select(%arg0: i32, %arg1: i32, %arg2: memref<2048x128xf32, #tpu.memory_space<hbm>>, %arg3: memref<1024xi32, #tpu.memory_space<hbm>>, %arg4: memref<1024x128xf32, #tpu.memory_space<hbm>>, %arg5: memref<32xi32, #tpu.memory_space<vmem>>, %arg6: memref<32x128xf32, #tpu.memory_space<vmem>>, %arg7: memref<!tpu.dma_semaphore, #tpu.memory_space<semaphore_mem>>) attributes {dimension_semantics = [#tpu.dimension_semantics<core_parallel>, #tpu.dimension_semantics<subcore_parallel>], iteration_bounds = array<i64: 2, 16>, scalar_prefetch = 0 : i64, scratch_operands = 3 : i64, tpu.core_type = #tpu.core_type<sc_vector_subcore>, window_params = [{transform_indices = #map}, {transform_indices = #map1}, {transform_indices = #map}]} {
    %mul3A = arith.constant 2 : i32
    %mul3A_0 = arith.muli %arg1, %mul3A : i32
    %add3A = arith.addi %mul3A_0, %arg0 : i32
    %mul3A_1 = arith.constant 32 : i32
    %mul3A_2 = arith.muli %add3A, %mul3A_1 : i32
    "tpu.region"() ({
      %run_scoped3A = tpu.sem_alloc : memref<!tpu.dma_semaphore, #tpu.memory_space<semaphore_mem>>
      %dma_start3A_7 = tpu.memref_slice %arg3[%mul3A_2] : memref<1024xi32, #tpu.memory_space<hbm>> -> memref<32xi32, #tpu.memory_space<hbm>>
      %dma_start3A_8 = tpu.memref_slice %arg3[%mul3A_2] : memref<1024xi32, #tpu.memory_space<hbm>> -> memref<32xi32, #tpu.memory_space<hbm>>
      tpu.enqueue_dma source(%dma_start3A_8 : memref<32xi32, #tpu.memory_space<hbm>>) target(%arg5 : memref<32xi32, #tpu.memory_space<vmem>>) target_semaphore(%run_scoped3A : memref<!tpu.dma_semaphore, #tpu.memory_space<semaphore_mem>>)
      %dma_wait3A_9 = tpu.memref_slice %arg3[%mul3A_2] : memref<1024xi32, #tpu.memory_space<hbm>> -> memref<32xi32, #tpu.memory_space<hbm>>
      %dma_wait3A_10 = tpu.memref_slice %arg3[%mul3A_2] : memref<1024xi32, #tpu.memory_space<hbm>> -> memref<32xi32, #tpu.memory_space<hbm>>
      tpu.wait_dma2 semaphore(%run_scoped3A : memref<!tpu.dma_semaphore, #tpu.memory_space<semaphore_mem>>) src(%dma_wait3A_10 : memref<32xi32, #tpu.memory_space<hbm>>) dst(%arg5 : memref<32xi32, #tpu.memory_space<vmem>>)
      tpu.yield
    }) : () -> ()
    %dma_start3A = arith.constant 0 : i32
    %dma_start3A_3 = arith.constant 0 : i32
    %dma_start3A_4 = tpu.memref_slice %arg2[%dma_start3A, %dma_start3A_3] : memref<2048x128xf32, #tpu.memory_space<hbm>> -> memref<2048x128xf32, #tpu.memory_space<hbm>>
    tpu.enqueue_indirect_dma source(%dma_start3A_4 : memref<2048x128xf32, #tpu.memory_space<hbm>>) target(%arg6 : memref<32x128xf32, #tpu.memory_space<vmem>>) offsets(%arg5 : memref<32xi32, #tpu.memory_space<vmem>>) semaphore(%arg7 : memref<!tpu.dma_semaphore, #tpu.memory_space<semaphore_mem>>)
    %dma_wait3A = arith.constant 0 : i32
    %dma_wait3A_5 = arith.constant 0 : i32
    %dma_wait3A_6 = tpu.memref_slice %arg2[%dma_wait3A, %dma_wait3A_5] : memref<2048x128xf32, #tpu.memory_space<hbm>> -> memref<2048x128xf32, #tpu.memory_space<hbm>>
    tpu.wait_indirect_dma semaphore(%arg7 : memref<!tpu.dma_semaphore, #tpu.memory_space<semaphore_mem>>) src(%dma_wait3A_6 : memref<2048x128xf32, #tpu.memory_space<hbm>>) dst(%arg6 : memref<32x128xf32, #tpu.memory_space<vmem>>)
    "tpu.region"() ({
      %run_scoped3A = tpu.sem_alloc : memref<!tpu.dma_semaphore, #tpu.memory_space<semaphore_mem>>
      %dma_start3A_7 = arith.constant 0 : i32
      %dma_start3A_8 = tpu.memref_slice %arg4[%mul3A_2, %dma_start3A_7] : memref<1024x128xf32, #tpu.memory_space<hbm>> -> memref<32x128xf32, #tpu.memory_space<hbm>>
      %dma_start3A_9 = arith.constant 0 : i32
      %dma_start3A_10 = tpu.memref_slice %arg4[%mul3A_2, %dma_start3A_9] : memref<1024x128xf32, #tpu.memory_space<hbm>> -> memref<32x128xf32, #tpu.memory_space<hbm>>
      tpu.enqueue_dma source(%arg6 : memref<32x128xf32, #tpu.memory_space<vmem>>) target(%dma_start3A_10 : memref<32x128xf32, #tpu.memory_space<hbm>>) target_semaphore(%run_scoped3A : memref<!tpu.dma_semaphore, #tpu.memory_space<semaphore_mem>>)
      %dma_wait3A_11 = arith.constant 0 : i32
      %dma_wait3A_12 = tpu.memref_slice %arg4[%mul3A_2, %dma_wait3A_11] : memref<1024x128xf32, #tpu.memory_space<hbm>> -> memref<32x128xf32, #tpu.memory_space<hbm>>
      %dma_wait3A_13 = arith.constant 0 : i32
      %dma_wait3A_14 = tpu.memref_slice %arg4[%mul3A_2, %dma_wait3A_13] : memref<1024x128xf32, #tpu.memory_space<hbm>> -> memref<32x128xf32, #tpu.memory_space<hbm>>
      tpu.wait_dma2 semaphore(%run_scoped3A : memref<!tpu.dma_semaphore, #tpu.memory_space<semaphore_mem>>) src(%arg6 : memref<32x128xf32, #tpu.memory_space<vmem>>) dst(%dma_wait3A_14 : memref<32x128xf32, #tpu.memory_space<hbm>>)
      tpu.yield
    }) : () -> ()
    return
  }
}

module attributes {stable_mosaic.version = 14 : i64} {
  func.func @_decode_body(%arg0: memref<4x20480xf32, #tpu.memory_space<vmem>>, %arg1: memref<4x20480xf32, #tpu.memory_space<vmem>>, %arg2: memref<1x20480xf32, #tpu.memory_space<vmem>>, %arg3: memref<4x20480xf32, #tpu.memory_space<vmem>>, %arg4: memref<1x20480xf32, #tpu.memory_space<vmem>>) attributes {dimension_semantics = [], scalar_prefetch = 0 : i64, scratch_operands = 0 : i64, tpu.core_type = #tpu.core_type<tc>} {
    %get3A = arith.constant 0 : index
    %get3A_0 = arith.constant 0 : index
    %get3A_1 = vector.load %arg0[%get3A, %get3A_0] : memref<4x20480xf32, #tpu.memory_space<vmem>>, vector<1x20480xf32>
    %get3A_2 = arith.constant 1 : index
    %get3A_3 = arith.constant 0 : index
    %get3A_4 = vector.load %arg0[%get3A_2, %get3A_3] : memref<4x20480xf32, #tpu.memory_space<vmem>>, vector<1x20480xf32>
    %get3A_5 = arith.constant 2 : index
    %get3A_6 = arith.constant 0 : index
    %get3A_7 = vector.load %arg0[%get3A_5, %get3A_6] : memref<4x20480xf32, #tpu.memory_space<vmem>>, vector<1x20480xf32>
    %get3A_8 = arith.constant 3 : index
    %get3A_9 = arith.constant 0 : index
    %get3A_10 = vector.load %arg0[%get3A_8, %get3A_9] : memref<4x20480xf32, #tpu.memory_space<vmem>>, vector<1x20480xf32>
    %sub3A = arith.subf %get3A_7, %get3A_1 : vector<1x20480xf32>
    %sub3A_11 = arith.subf %get3A_10, %get3A_4 : vector<1x20480xf32>
    %mul3A = arith.constant 5.000000e-01 : f32
    %mul3A_12 = vector.broadcast %mul3A : f32 to vector<1x20480xf32>
    %mul3A_13 = arith.mulf %mul3A_12, %sub3A : vector<1x20480xf32>
    %add3A = arith.addf %get3A_1, %mul3A_13 : vector<1x20480xf32>
    %mul3A_14 = arith.constant 5.000000e-01 : f32
    %mul3A_15 = vector.broadcast %mul3A_14 : f32 to vector<1x20480xf32>
    %mul3A_16 = arith.mulf %mul3A_15, %sub3A_11 : vector<1x20480xf32>
    %add3A_17 = arith.addf %get3A_4, %mul3A_16 : vector<1x20480xf32>
    %get3A_18 = arith.constant 0 : index
    %get3A_19 = arith.constant 0 : index
    %get3A_20 = vector.load %arg1[%get3A_18, %get3A_19] : memref<4x20480xf32, #tpu.memory_space<vmem>>, vector<1x20480xf32>
    %get3A_21 = arith.constant 1 : index
    %get3A_22 = arith.constant 0 : index
    %get3A_23 = vector.load %arg1[%get3A_21, %get3A_22] : memref<4x20480xf32, #tpu.memory_space<vmem>>, vector<1x20480xf32>
    %get3A_24 = arith.constant 2 : index
    %get3A_25 = arith.constant 0 : index
    %get3A_26 = vector.load %arg1[%get3A_24, %get3A_25] : memref<4x20480xf32, #tpu.memory_space<vmem>>, vector<1x20480xf32>
    %min3A = arith.constant 4.13516665 : f32
    %min3A_27 = vector.broadcast %min3A : f32 to vector<1x20480xf32>
    %min3A_28 = arith.minimumf %get3A_26, %min3A_27 : vector<1x20480xf32>
    %get3A_29 = arith.constant 3 : index
    %get3A_30 = arith.constant 0 : index
    %get3A_31 = vector.load %arg1[%get3A_29, %get3A_30] : memref<4x20480xf32, #tpu.memory_space<vmem>>, vector<1x20480xf32>
    %min3A_32 = arith.constant 4.13516665 : f32
    %min3A_33 = vector.broadcast %min3A_32 : f32 to vector<1x20480xf32>
    %min3A_34 = arith.minimumf %get3A_31, %min3A_33 : vector<1x20480xf32>
    %mul3A_35 = arith.mulf %get3A_20, %sub3A : vector<1x20480xf32>
    %add3A_36 = arith.addf %mul3A_35, %add3A : vector<1x20480xf32>
    %mul3A_37 = arith.mulf %get3A_23, %sub3A_11 : vector<1x20480xf32>
    %add3A_38 = arith.addf %mul3A_37, %add3A_17 : vector<1x20480xf32>
    %exp3A = math.exp %min3A_28 : vector<1x20480xf32>
    %mul3A_39 = arith.mulf %exp3A, %sub3A : vector<1x20480xf32>
    %exp3A_40 = math.exp %min3A_34 : vector<1x20480xf32>
    %mul3A_41 = arith.mulf %exp3A_40, %sub3A_11 : vector<1x20480xf32>
    %mul3A_42 = arith.constant 5.000000e-01 : f32
    %mul3A_43 = vector.broadcast %mul3A_42 : f32 to vector<1x20480xf32>
    %mul3A_44 = arith.mulf %mul3A_43, %mul3A_39 : vector<1x20480xf32>
    %sub3A_45 = arith.subf %add3A_36, %mul3A_44 : vector<1x20480xf32>
    %jit3A = arith.constant 0.000000e+00 : f32
    %jit3A_46 = arith.constant 1.024000e+03 : f32
    %max3A = vector.broadcast %jit3A : f32 to vector<1x20480xf32>
    %max3A_47 = arith.maximumf %max3A, %sub3A_45 : vector<1x20480xf32>
    %min3A_48 = vector.broadcast %jit3A_46 : f32 to vector<1x20480xf32>
    %min3A_49 = arith.minimumf %min3A_48, %max3A_47 : vector<1x20480xf32>
    %mul3A_50 = arith.constant 5.000000e-01 : f32
    %mul3A_51 = vector.broadcast %mul3A_50 : f32 to vector<1x20480xf32>
    %mul3A_52 = arith.mulf %mul3A_51, %mul3A_41 : vector<1x20480xf32>
    %sub3A_53 = arith.subf %add3A_38, %mul3A_52 : vector<1x20480xf32>
    %jit3A_54 = arith.constant 0.000000e+00 : f32
    %jit3A_55 = arith.constant 1.024000e+03 : f32
    %max3A_56 = vector.broadcast %jit3A_54 : f32 to vector<1x20480xf32>
    %max3A_57 = arith.maximumf %max3A_56, %sub3A_53 : vector<1x20480xf32>
    %min3A_58 = vector.broadcast %jit3A_55 : f32 to vector<1x20480xf32>
    %min3A_59 = arith.minimumf %min3A_58, %max3A_57 : vector<1x20480xf32>
    %mul3A_60 = arith.constant 5.000000e-01 : f32
    %mul3A_61 = vector.broadcast %mul3A_60 : f32 to vector<1x20480xf32>
    %mul3A_62 = arith.mulf %mul3A_61, %mul3A_39 : vector<1x20480xf32>
    %add3A_63 = arith.addf %add3A_36, %mul3A_62 : vector<1x20480xf32>
    %jit3A_64 = arith.constant 0.000000e+00 : f32
    %jit3A_65 = arith.constant 1.024000e+03 : f32
    %max3A_66 = vector.broadcast %jit3A_64 : f32 to vector<1x20480xf32>
    %max3A_67 = arith.maximumf %max3A_66, %add3A_63 : vector<1x20480xf32>
    %min3A_68 = vector.broadcast %jit3A_65 : f32 to vector<1x20480xf32>
    %min3A_69 = arith.minimumf %min3A_68, %max3A_67 : vector<1x20480xf32>
    %mul3A_70 = arith.constant 5.000000e-01 : f32
    %mul3A_71 = vector.broadcast %mul3A_70 : f32 to vector<1x20480xf32>
    %mul3A_72 = arith.mulf %mul3A_71, %mul3A_41 : vector<1x20480xf32>
    %add3A_73 = arith.addf %add3A_38, %mul3A_72 : vector<1x20480xf32>
    %jit3A_74 = arith.constant 0.000000e+00 : f32
    %jit3A_75 = arith.constant 1.024000e+03 : f32
    %max3A_76 = vector.broadcast %jit3A_74 : f32 to vector<1x20480xf32>
    %max3A_77 = arith.maximumf %max3A_76, %add3A_73 : vector<1x20480xf32>
    %min3A_78 = vector.broadcast %jit3A_75 : f32 to vector<1x20480xf32>
    %min3A_79 = arith.minimumf %min3A_78, %max3A_77 : vector<1x20480xf32>
    %swap3A = arith.constant 0 : index
    %swap3A_80 = arith.constant 0 : index
    %swap3A_81 = vector.load %arg3[%swap3A, %swap3A_80] : memref<4x20480xf32, #tpu.memory_space<vmem>>, vector<1x20480xf32>
    tpu.vector_store %arg3[%swap3A, %swap3A_80], %min3A_49 {strides = array<i32>} : memref<4x20480xf32, #tpu.memory_space<vmem>>, vector<1x20480xf32>,
    %swap3A_82 = arith.constant 1 : index
    %swap3A_83 = arith.constant 0 : index
    %swap3A_84 = vector.load %arg3[%swap3A_82, %swap3A_83] : memref<4x20480xf32, #tpu.memory_space<vmem>>, vector<1x20480xf32>
    tpu.vector_store %arg3[%swap3A_82, %swap3A_83], %min3A_59 {strides = array<i32>} : memref<4x20480xf32, #tpu.memory_space<vmem>>, vector<1x20480xf32>,
    %swap3A_85 = arith.constant 2 : index
    %swap3A_86 = arith.constant 0 : index
    %swap3A_87 = vector.load %arg3[%swap3A_85, %swap3A_86] : memref<4x20480xf32, #tpu.memory_space<vmem>>, vector<1x20480xf32>
    tpu.vector_store %arg3[%swap3A_85, %swap3A_86], %min3A_69 {strides = array<i32>} : memref<4x20480xf32, #tpu.memory_space<vmem>>, vector<1x20480xf32>,
    %swap3A_88 = arith.constant 3 : index
    %swap3A_89 = arith.constant 0 : index
    %swap3A_90 = vector.load %arg3[%swap3A_88, %swap3A_89] : memref<4x20480xf32, #tpu.memory_space<vmem>>, vector<1x20480xf32>
    tpu.vector_store %arg3[%swap3A_88, %swap3A_89], %min3A_79 {strides = array<i32>} : memref<4x20480xf32, #tpu.memory_space<vmem>>, vector<1x20480xf32>,
    %sub3A_91 = arith.subf %min3A_69, %min3A_49 : vector<1x20480xf32>
    %ge3A = arith.constant 1.000000e-03 : f32
    %ge3A_92 = vector.broadcast %ge3A : f32 to vector<1x20480xf32>
    %ge3A_93 = arith.cmpf oge, %sub3A_91, %ge3A_92 : vector<1x20480xf32>
    %sub3A_94 = arith.subf %min3A_79, %min3A_59 : vector<1x20480xf32>
    %ge3A_95 = arith.constant 1.000000e-03 : f32
    %ge3A_96 = vector.broadcast %ge3A_95 : f32 to vector<1x20480xf32>
    %ge3A_97 = arith.cmpf oge, %sub3A_94, %ge3A_96 : vector<1x20480xf32>
    %and3A = arith.andi %ge3A_93, %ge3A_97 : vector<1x20480xi1>
    %get3A_98 = arith.constant 0 : index
    %get3A_99 = arith.constant 0 : index
    %get3A_100 = vector.load %arg2[%get3A_98, %get3A_99] : memref<1x20480xf32, #tpu.memory_space<vmem>>, vector<1x20480xf32>
    %jit3A_101 = arith.constant -1.000000e+09 : f32
    %broadcast_in_dim3A = vector.broadcast %jit3A_101 : f32 to vector<1x20480xf32>
    %select_n3A = arith.select %and3A, %get3A_100, %broadcast_in_dim3A : vector<1x20480xi1>, vector<1x20480xf32>
    %swap3A_102 = arith.constant 0 : index
    %swap3A_103 = arith.constant 0 : index
    %swap3A_104 = vector.load %arg4[%swap3A_102, %swap3A_103] : memref<1x20480xf32, #tpu.memory_space<vmem>>, vector<1x20480xf32>
    tpu.vector_store %arg4[%swap3A_102, %swap3A_103], %select_n3A {strides = array<i32>} : memref<1x20480xf32, #tpu.memory_space<vmem>>, vector<1x20480xf32>,
    return
  }
}

module attributes {stable_mosaic.version = 14 : i64} {
  func.func @_nms_body(%arg0: memref<4x2048xf32, #tpu.memory_space<vmem>>, %arg1: memref<2048x4xf32, #tpu.memory_space<vmem>>, %arg2: memref<2048x1xf32, #tpu.memory_space<vmem>>, %arg3: memref<1x2048xf32, #tpu.memory_space<vmem>>, %arg4: memref<2048x128xf32, #tpu.memory_space<vmem>>) attributes {dimension_semantics = [], scalar_prefetch = 0 : i64, scratch_operands = 0 : i64, tpu.core_type = #tpu.core_type<tc>} {
    %get3A = arith.constant 0 : index
    %get3A_0 = arith.constant 0 : index
    %get3A_1 = vector.load %arg1[%get3A, %get3A_0] : memref<2048x4xf32, #tpu.memory_space<vmem>>, vector<2048x4xf32>
    %swap3A = arith.constant 0 : index
    %swap3A_2 = arith.constant 0 : index
    %swap3A_3 = vector.load %arg4[%swap3A, %swap3A_2] : memref<2048x128xf32, #tpu.memory_space<vmem>>, vector<2048x4xf32>
    tpu.vector_store %arg4[%swap3A, %swap3A_2], %get3A_1 {strides = array<i32>} : memref<2048x128xf32, #tpu.memory_space<vmem>>, vector<2048x4xf32>,
    %get3A_4 = arith.constant 0 : index
    %get3A_5 = arith.constant 0 : index
    %get3A_6 = vector.load %arg2[%get3A_4, %get3A_5] : memref<2048x1xf32, #tpu.memory_space<vmem>>, vector<2048x1xf32>
    %swap3A_7 = arith.constant 0 : index
    %swap3A_8 = arith.constant 4 : index
    %swap3A_9 = vector.load %arg4[%swap3A_7, %swap3A_8] : memref<2048x128xf32, #tpu.memory_space<vmem>>, vector<2048x1xf32>
    tpu.vector_store %arg4[%swap3A_7, %swap3A_8], %get3A_6 {strides = array<i32>} : memref<2048x128xf32, #tpu.memory_space<vmem>>, vector<2048x1xf32>,
    %get3A_10 = arith.constant 0 : index
    %get3A_11 = arith.constant 0 : index
    %get3A_12 = vector.load %arg1[%get3A_10, %get3A_11] : memref<2048x4xf32, #tpu.memory_space<vmem>>, vector<2048x1xf32>
    %get3A_13 = arith.constant 0 : index
    %get3A_14 = arith.constant 1 : index
    %get3A_15 = vector.load %arg1[%get3A_13, %get3A_14] : memref<2048x4xf32, #tpu.memory_space<vmem>>, vector<2048x1xf32>
    %get3A_16 = arith.constant 0 : index
    %get3A_17 = arith.constant 2 : index
    %get3A_18 = vector.load %arg1[%get3A_16, %get3A_17] : memref<2048x4xf32, #tpu.memory_space<vmem>>, vector<2048x1xf32>
    %get3A_19 = arith.constant 0 : index
    %get3A_20 = arith.constant 3 : index
    %get3A_21 = vector.load %arg1[%get3A_19, %get3A_20] : memref<2048x4xf32, #tpu.memory_space<vmem>>, vector<2048x1xf32>
    %sub3A = arith.subf %get3A_18, %get3A_12 : vector<2048x1xf32>
    %sub3A_22 = arith.subf %get3A_21, %get3A_15 : vector<2048x1xf32>
    %mul3A = arith.mulf %sub3A, %sub3A_22 : vector<2048x1xf32>
    %broadcast_in_dim3A = arith.constant 0.000000e+00 : f32
    %broadcast_in_dim3A_23 = vector.broadcast %broadcast_in_dim3A : f32 to vector<1x2048xf32>
    %swap3A_24 = arith.constant 0 : index
    %swap3A_25 = arith.constant 0 : index
    %swap3A_26 = vector.load %arg3[%swap3A_24, %swap3A_25] : memref<1x2048xf32, #tpu.memory_space<vmem>>, vector<1x2048xf32>
    tpu.vector_store %arg3[%swap3A_24, %swap3A_25], %broadcast_in_dim3A_23 {strides = array<i32>} : memref<1x2048xf32, #tpu.memory_space<vmem>>, vector<1x2048xf32>,
    %iota3A = tpu.iota {dimensions = array<i32: 0>} : vector<128x128xi32>
    %iota3A_27 = tpu.iota {dimensions = array<i32: 1>} : vector<128x128xi32>
    %get3A_28 = arith.constant 0 : index
    %get3A_29 = arith.constant 0 : index
    %get3A_30 = vector.load %arg0[%get3A_28, %get3A_29] : memref<4x2048xf32, #tpu.memory_space<vmem>>, vector<1x128xf32>
    %get3A_31 = arith.constant 1 : index
    %get3A_32 = arith.constant 0 : index
    %get3A_33 = vector.load %arg0[%get3A_31, %get3A_32] : memref<4x2048xf32, #tpu.memory_space<vmem>>, vector<1x128xf32>
    %get3A_34 = arith.constant 2 : index
    %get3A_35 = arith.constant 0 : index
    %get3A_36 = vector.load %arg0[%get3A_34, %get3A_35] : memref<4x2048xf32, #tpu.memory_space<vmem>>, vector<1x128xf32>
    %get3A_37 = arith.constant 3 : index
    %get3A_38 = arith.constant 0 : index
    %get3A_39 = vector.load %arg0[%get3A_37, %get3A_38] : memref<4x2048xf32, #tpu.memory_space<vmem>>, vector<1x128xf32>
    %sub3A_40 = arith.subf %get3A_36, %get3A_30 : vector<1x128xf32>
    %sub3A_41 = arith.subf %get3A_39, %get3A_33 : vector<1x128xf32>
    %mul3A_42 = arith.mulf %sub3A_40, %sub3A_41 : vector<1x128xf32>
    %max3A = vector.broadcast %get3A_12 : vector<2048x1xf32> to vector<2048x128xf32>
    %max3A_43 = vector.broadcast %get3A_30 : vector<1x128xf32> to vector<2048x128xf32>
    %max3A_44 = arith.maximumf %max3A, %max3A_43 : vector<2048x128xf32>
    %max3A_45 = vector.broadcast %get3A_15 : vector<2048x1xf32> to vector<2048x128xf32>
    %max3A_46 = vector.broadcast %get3A_33 : vector<1x128xf32> to vector<2048x128xf32>
    %max3A_47 = arith.maximumf %max3A_45, %max3A_46 : vector<2048x128xf32>
    %min3A = vector.broadcast %get3A_18 : vector<2048x1xf32> to vector<2048x128xf32>
    %min3A_48 = vector.broadcast %get3A_36 : vector<1x128xf32> to vector<2048x128xf32>
    %min3A_49 = arith.minimumf %min3A, %min3A_48 : vector<2048x128xf32>
    %min3A_50 = vector.broadcast %get3A_21 : vector<2048x1xf32> to vector<2048x128xf32>
    %min3A_51 = vector.broadcast %get3A_39 : vector<1x128xf32> to vector<2048x128xf32>
    %min3A_52 = arith.minimumf %min3A_50, %min3A_51 : vector<2048x128xf32>
    %sub3A_53 = arith.subf %min3A_49, %max3A_44 : vector<2048x128xf32>
    %max3A_54 = arith.constant 0.000000e+00 : f32
    %max3A_55 = vector.broadcast %max3A_54 : f32 to vector<2048x128xf32>
    %max3A_56 = arith.maximumf %sub3A_53, %max3A_55 : vector<2048x128xf32>
    %sub3A_57 = arith.subf %min3A_52, %max3A_47 : vector<2048x128xf32>
    %max3A_58 = arith.constant 0.000000e+00 : f32
    %max3A_59 = vector.broadcast %max3A_58 : f32 to vector<2048x128xf32>
    %max3A_60 = arith.maximumf %sub3A_57, %max3A_59 : vector<2048x128xf32>
    %mul3A_61 = arith.mulf %max3A_56, %max3A_60 : vector<2048x128xf32>
    %add3A = vector.broadcast %mul3A : vector<2048x1xf32> to vector<2048x128xf32>
    %add3A_62 = vector.broadcast %mul3A_42 : vector<1x128xf32> to vector<2048x128xf32>
    %add3A_63 = arith.addf %add3A, %add3A_62 : vector<2048x128xf32>
    %sub3A_64 = arith.subf %add3A_63, %mul3A_61 : vector<2048x128xf32>
    %add3A_65 = arith.constant 9.99999971E-10 : f32
    %add3A_66 = vector.broadcast %add3A_65 : f32 to vector<2048x128xf32>
    %add3A_67 = arith.addf %sub3A_64, %add3A_66 : vector<2048x128xf32>
    %div3A = arith.divf %mul3A_61, %add3A_67 : vector<2048x128xf32>
    %gt3A = arith.constant 0.699999988 : f32
    %gt3A_68 = vector.broadcast %gt3A : f32 to vector<2048x128xf32>
    %gt3A_69 = arith.cmpf ogt, %div3A, %gt3A_68 : vector<2048x128xf32>
    %jit3A = arith.constant 1.000000e+00 : f32
    %jit3A_70 = arith.constant 0.000000e+00 : f32
    %broadcast_in_dim3A_71 = vector.broadcast %jit3A : f32 to vector<2048x128xf32>
    %broadcast_in_dim3A_72 = vector.broadcast %jit3A_70 : f32 to vector<2048x128xf32>
    %select_n3A = arith.select %gt3A_69, %broadcast_in_dim3A_71, %broadcast_in_dim3A_72 : vector<2048x128xi1>, vector<2048x128xf32>
    %get3A_73 = arith.constant 0 : index
    %get3A_74 = arith.constant 0 : index
    %get3A_75 = vector.load %arg3[%get3A_73, %get3A_74] : memref<1x2048xf32, #tpu.memory_space<vmem>>, vector<1x2048xf32>
    %dot_general3A = arith.constant dense<0.000000e+00> : vector<1x128xf32>
    %dot_general3A_76 = tpu.matmul %get3A_75, %select_n3A, %dot_general3A {dimension_numbers = #tpu.dot_dimension_numbers<[1], [0], [0], [1], [0, 0, 1, 1], [], []>, transpose_lhs_hint = false} : vector<1x2048xf32>, vector<2048x128xf32>, vector<1x128xf32> -> vector<1x128xf32>
    %gt3A_77 = arith.constant 0.000000e+00 : f32
    %gt3A_78 = vector.broadcast %gt3A_77 : f32 to vector<1x128xf32>
    %gt3A_79 = arith.cmpf ogt, %dot_general3A_76, %gt3A_78 : vector<1x128xf32>
    %jit3A_80 = arith.constant 0.000000e+00 : f32
    %jit3A_81 = arith.constant 1.000000e+00 : f32
    %broadcast_in_dim3A_82 = vector.broadcast %jit3A_80 : f32 to vector<1x128xf32>
    %broadcast_in_dim3A_83 = vector.broadcast %jit3A_81 : f32 to vector<1x128xf32>
    %select_n3A_84 = arith.select %gt3A_79, %broadcast_in_dim3A_82, %broadcast_in_dim3A_83 : vector<1x128xi1>, vector<1x128xf32>
    %lt3A = arith.cmpi slt, %iota3A, %iota3A_27 : vector<128x128xi32>
    %slice3A = vector.extract_strided_slice %select_n3A {offsets = [0, 0], sizes = [128, 128], strides = [1, 1]} : vector<2048x128xf32> to vector<128x128xf32>
    %jit3A_85 = arith.constant 0.000000e+00 : f32
    %broadcast_in_dim3A_86 = vector.broadcast %jit3A_85 : f32 to vector<128x128xf32>
    %select_n3A_87 = arith.select %lt3A, %slice3A, %broadcast_in_dim3A_86 : vector<128x128xi1>, vector<128x128xf32>
    %while3A = arith.constant true
    %while3A_88:2 = scf.while (%while3A_1217 = %select_n3A_84, %while3A_1218 = %while3A) : (vector<1x128xf32>, i1) -> (vector<1x128xf32>, i1) {
      scf.condition(%while3A_1218) %while3A_1217, %while3A_1218 : vector<1x128xf32>, i1
    } do {
    ^bb0(%while3A_1217: vector<1x128xf32>, %while3A_1218: i1):
      %dot_general3A_1219 = arith.constant dense<0.000000e+00> : vector<1x128xf32>
      %dot_general3A_1220 = tpu.matmul %while3A_1217, %select_n3A_87, %dot_general3A_1219 {dimension_numbers = #tpu.dot_dimension_numbers<[1], [0], [0], [1], [0, 0, 1, 1], [], []>, transpose_lhs_hint = false} : vector<1x128xf32>, vector<128x128xf32>, vector<1x128xf32> -> vector<1x128xf32>
      %gt3A_1221 = arith.constant 0.000000e+00 : f32
      %gt3A_1222 = vector.broadcast %gt3A_1221 : f32 to vector<1x128xf32>
      %gt3A_1223 = arith.cmpf ogt, %dot_general3A_1220, %gt3A_1222 : vector<1x128xf32>
      %jit3A_1224 = arith.constant 0.000000e+00 : f32
      %jit3A_1225 = arith.constant 1.000000e+00 : f32
      %broadcast_in_dim3A_1226 = vector.broadcast %jit3A_1224 : f32 to vector<1x128xf32>
      %broadcast_in_dim3A_1227 = vector.broadcast %jit3A_1225 : f32 to vector<1x128xf32>
      %select_n3A_1228 = arith.select %gt3A_1223, %broadcast_in_dim3A_1226, %broadcast_in_dim3A_1227 : vector<1x128xi1>, vector<1x128xf32>
      %mul3A_1229 = arith.mulf %select_n3A_84, %select_n3A_1228 : vector<1x128xf32>
      %ne3A = arith.cmpf one, %mul3A_1229, %while3A_1217 : vector<1x128xf32>
      %reduce_or3A = arith.constant 1.000000e+00 : f32
      %reduce_or3A_1230 = arith.constant 0.000000e+00 : f32
      %reduce_or3A_1231 = vector.broadcast %reduce_or3A : f32 to vector<1x128xf32>
      %reduce_or3A_1232 = vector.broadcast %reduce_or3A_1230 : f32 to vector<1x128xf32>
      %reduce_or3A_1233 = arith.select %ne3A, %reduce_or3A_1231, %reduce_or3A_1232 : vector<1x128xi1>, vector<1x128xf32>
      %reduce_or3A_1234 = vector.shape_cast %reduce_or3A_1233 : vector<1x128xf32> to vector<1x1x128xf32>
      %reduce_or3A_1235 = arith.constant dense<0xFF800000> : vector<1xf32>
      %reduce_or3A_1236 = vector.multi_reduction <maximumf>, %reduce_or3A_1234, %reduce_or3A_1235 [1, 2] : vector<1x1x128xf32> to vector<1xf32>
      %reduce_or3A_1237 = vector.shape_cast %reduce_or3A_1236 : vector<1xf32> to vector<1x1x1xf32>
      %reduce_or3A_1238 = vector.extract %reduce_or3A_1237[0, 0, 0] : f32 from vector<1x1x1xf32>
      %reduce_or3A_1239 = arith.constant 0.000000e+00 : f32
      %reduce_or3A_1240 = arith.cmpf ogt, %reduce_or3A_1238, %reduce_or3A_1239 : f32
      scf.yield %mul3A_1229, %reduce_or3A_1240 : vector<1x128xf32>, i1
    }
    %swap3A_89 = arith.constant 0 : index
    %swap3A_90 = arith.constant 0 : index
    %swap3A_91 = vector.load %arg3[%swap3A_89, %swap3A_90] : memref<1x2048xf32, #tpu.memory_space<vmem>>, vector<1x128xf32>
    tpu.vector_store %arg3[%swap3A_89, %swap3A_90], %while3A_88#0 {strides = array<i32>} : memref<1x2048xf32, #tpu.memory_space<vmem>>, vector<1x128xf32>,
    %get3A_92 = arith.constant 0 : index
    %get3A_93 = arith.constant 128 : index
    %get3A_94 = vector.load %arg0[%get3A_92, %get3A_93] : memref<4x2048xf32, #tpu.memory_space<vmem>>, vector<1x128xf32>
    %get3A_95 = arith.constant 1 : index
    %get3A_96 = arith.constant 128 : index
    %get3A_97 = vector.load %arg0[%get3A_95, %get3A_96] : memref<4x2048xf32, #tpu.memory_space<vmem>>, vector<1x128xf32>
    %get3A_98 = arith.constant 2 : index
    %get3A_99 = arith.constant 128 : index
    %get3A_100 = vector.load %arg0[%get3A_98, %get3A_99] : memref<4x2048xf32, #tpu.memory_space<vmem>>, vector<1x128xf32>
    %get3A_101 = arith.constant 3 : index
    %get3A_102 = arith.constant 128 : index
    %get3A_103 = vector.load %arg0[%get3A_101, %get3A_102] : memref<4x2048xf32, #tpu.memory_space<vmem>>, vector<1x128xf32>
    %sub3A_104 = arith.subf %get3A_100, %get3A_94 : vector<1x128xf32>
    %sub3A_105 = arith.subf %get3A_103, %get3A_97 : vector<1x128xf32>
    %mul3A_106 = arith.mulf %sub3A_104, %sub3A_105 : vector<1x128xf32>
    %max3A_107 = vector.broadcast %get3A_12 : vector<2048x1xf32> to vector<2048x128xf32>
    %max3A_108 = vector.broadcast %get3A_94 : vector<1x128xf32> to vector<2048x128xf32>
    %max3A_109 = arith.maximumf %max3A_107, %max3A_108 : vector<2048x128xf32>
    %max3A_110 = vector.broadcast %get3A_15 : vector<2048x1xf32> to vector<2048x128xf32>
    %max3A_111 = vector.broadcast %get3A_97 : vector<1x128xf32> to vector<2048x128xf32>
    %max3A_112 = arith.maximumf %max3A_110, %max3A_111 : vector<2048x128xf32>
    %min3A_113 = vector.broadcast %get3A_18 : vector<2048x1xf32> to vector<2048x128xf32>
    %min3A_114 = vector.broadcast %get3A_100 : vector<1x128xf32> to vector<2048x128xf32>
    %min3A_115 = arith.minimumf %min3A_113, %min3A_114 : vector<2048x128xf32>
    %min3A_116 = vector.broadcast %get3A_21 : vector<2048x1xf32> to vector<2048x128xf32>
    %min3A_117 = vector.broadcast %get3A_103 : vector<1x128xf32> to vector<2048x128xf32>
    %min3A_118 = arith.minimumf %min3A_116, %min3A_117 : vector<2048x128xf32>
    %sub3A_119 = arith.subf %min3A_115, %max3A_109 : vector<2048x128xf32>
    %max3A_120 = arith.constant 0.000000e+00 : f32
    %max3A_121 = vector.broadcast %max3A_120 : f32 to vector<2048x128xf32>
    %max3A_122 = arith.maximumf %sub3A_119, %max3A_121 : vector<2048x128xf32>
    %sub3A_123 = arith.subf %min3A_118, %max3A_112 : vector<2048x128xf32>
    %max3A_124 = arith.constant 0.000000e+00 : f32
    %max3A_125 = vector.broadcast %max3A_124 : f32 to vector<2048x128xf32>
    %max3A_126 = arith.maximumf %sub3A_123, %max3A_125 : vector<2048x128xf32>
    %mul3A_127 = arith.mulf %max3A_122, %max3A_126 : vector<2048x128xf32>
    %add3A_128 = vector.broadcast %mul3A : vector<2048x1xf32> to vector<2048x128xf32>
    %add3A_129 = vector.broadcast %mul3A_106 : vector<1x128xf32> to vector<2048x128xf32>
    %add3A_130 = arith.addf %add3A_128, %add3A_129 : vector<2048x128xf32>
    %sub3A_131 = arith.subf %add3A_130, %mul3A_127 : vector<2048x128xf32>
    %add3A_132 = arith.constant 9.99999971E-10 : f32
    %add3A_133 = vector.broadcast %add3A_132 : f32 to vector<2048x128xf32>
    %add3A_134 = arith.addf %sub3A_131, %add3A_133 : vector<2048x128xf32>
    %div3A_135 = arith.divf %mul3A_127, %add3A_134 : vector<2048x128xf32>
    %gt3A_136 = arith.constant 0.699999988 : f32
    %gt3A_137 = vector.broadcast %gt3A_136 : f32 to vector<2048x128xf32>
    %gt3A_138 = arith.cmpf ogt, %div3A_135, %gt3A_137 : vector<2048x128xf32>
    %jit3A_139 = arith.constant 1.000000e+00 : f32
    %jit3A_140 = arith.constant 0.000000e+00 : f32
    %broadcast_in_dim3A_141 = vector.broadcast %jit3A_139 : f32 to vector<2048x128xf32>
    %broadcast_in_dim3A_142 = vector.broadcast %jit3A_140 : f32 to vector<2048x128xf32>
    %select_n3A_143 = arith.select %gt3A_138, %broadcast_in_dim3A_141, %broadcast_in_dim3A_142 : vector<2048x128xi1>, vector<2048x128xf32>
    %get3A_144 = arith.constant 0 : index
    %get3A_145 = arith.constant 0 : index
    %get3A_146 = vector.load %arg3[%get3A_144, %get3A_145] : memref<1x2048xf32, #tpu.memory_space<vmem>>, vector<1x2048xf32>
    %dot_general3A_147 = arith.constant dense<0.000000e+00> : vector<1x128xf32>
    %dot_general3A_148 = tpu.matmul %get3A_146, %select_n3A_143, %dot_general3A_147 {dimension_numbers = #tpu.dot_dimension_numbers<[1], [0], [0], [1], [0, 0, 1, 1], [], []>, transpose_lhs_hint = false} : vector<1x2048xf32>, vector<2048x128xf32>, vector<1x128xf32> -> vector<1x128xf32>
    %gt3A_149 = arith.constant 0.000000e+00 : f32
    %gt3A_150 = vector.broadcast %gt3A_149 : f32 to vector<1x128xf32>
    %gt3A_151 = arith.cmpf ogt, %dot_general3A_148, %gt3A_150 : vector<1x128xf32>
    %jit3A_152 = arith.constant 0.000000e+00 : f32
    %jit3A_153 = arith.constant 1.000000e+00 : f32
    %broadcast_in_dim3A_154 = vector.broadcast %jit3A_152 : f32 to vector<1x128xf32>
    %broadcast_in_dim3A_155 = vector.broadcast %jit3A_153 : f32 to vector<1x128xf32>
    %select_n3A_156 = arith.select %gt3A_151, %broadcast_in_dim3A_154, %broadcast_in_dim3A_155 : vector<1x128xi1>, vector<1x128xf32>
    %lt3A_157 = arith.cmpi slt, %iota3A, %iota3A_27 : vector<128x128xi32>
    %slice3A_158 = vector.extract_strided_slice %select_n3A_143 {offsets = [128, 0], sizes = [128, 128], strides = [1, 1]} : vector<2048x128xf32> to vector<128x128xf32>
    %jit3A_159 = arith.constant 0.000000e+00 : f32
    %broadcast_in_dim3A_160 = vector.broadcast %jit3A_159 : f32 to vector<128x128xf32>
    %select_n3A_161 = arith.select %lt3A_157, %slice3A_158, %broadcast_in_dim3A_160 : vector<128x128xi1>, vector<128x128xf32>
    %while3A_162 = arith.constant true
    %while3A_163:2 = scf.while (%while3A_1217 = %select_n3A_156, %while3A_1218 = %while3A_162) : (vector<1x128xf32>, i1) -> (vector<1x128xf32>, i1) {
      scf.condition(%while3A_1218) %while3A_1217, %while3A_1218 : vector<1x128xf32>, i1
    } do {
    ^bb0(%while3A_1217: vector<1x128xf32>, %while3A_1218: i1):
      %dot_general3A_1219 = arith.constant dense<0.000000e+00> : vector<1x128xf32>
      %dot_general3A_1220 = tpu.matmul %while3A_1217, %select_n3A_161, %dot_general3A_1219 {dimension_numbers = #tpu.dot_dimension_numbers<[1], [0], [0], [1], [0, 0, 1, 1], [], []>, transpose_lhs_hint = false} : vector<1x128xf32>, vector<128x128xf32>, vector<1x128xf32> -> vector<1x128xf32>
      %gt3A_1221 = arith.constant 0.000000e+00 : f32
      %gt3A_1222 = vector.broadcast %gt3A_1221 : f32 to vector<1x128xf32>
      %gt3A_1223 = arith.cmpf ogt, %dot_general3A_1220, %gt3A_1222 : vector<1x128xf32>
      %jit3A_1224 = arith.constant 0.000000e+00 : f32
      %jit3A_1225 = arith.constant 1.000000e+00 : f32
      %broadcast_in_dim3A_1226 = vector.broadcast %jit3A_1224 : f32 to vector<1x128xf32>
      %broadcast_in_dim3A_1227 = vector.broadcast %jit3A_1225 : f32 to vector<1x128xf32>
      %select_n3A_1228 = arith.select %gt3A_1223, %broadcast_in_dim3A_1226, %broadcast_in_dim3A_1227 : vector<1x128xi1>, vector<1x128xf32>
      %mul3A_1229 = arith.mulf %select_n3A_156, %select_n3A_1228 : vector<1x128xf32>
      %ne3A = arith.cmpf one, %mul3A_1229, %while3A_1217 : vector<1x128xf32>
      %reduce_or3A = arith.constant 1.000000e+00 : f32
      %reduce_or3A_1230 = arith.constant 0.000000e+00 : f32
      %reduce_or3A_1231 = vector.broadcast %reduce_or3A : f32 to vector<1x128xf32>
      %reduce_or3A_1232 = vector.broadcast %reduce_or3A_1230 : f32 to vector<1x128xf32>
      %reduce_or3A_1233 = arith.select %ne3A, %reduce_or3A_1231, %reduce_or3A_1232 : vector<1x128xi1>, vector<1x128xf32>
      %reduce_or3A_1234 = vector.shape_cast %reduce_or3A_1233 : vector<1x128xf32> to vector<1x1x128xf32>
      %reduce_or3A_1235 = arith.constant dense<0xFF800000> : vector<1xf32>
      %reduce_or3A_1236 = vector.multi_reduction <maximumf>, %reduce_or3A_1234, %reduce_or3A_1235 [1, 2] : vector<1x1x128xf32> to vector<1xf32>
      %reduce_or3A_1237 = vector.shape_cast %reduce_or3A_1236 : vector<1xf32> to vector<1x1x1xf32>
      %reduce_or3A_1238 = vector.extract %reduce_or3A_1237[0, 0, 0] : f32 from vector<1x1x1xf32>
      %reduce_or3A_1239 = arith.constant 0.000000e+00 : f32
      %reduce_or3A_1240 = arith.cmpf ogt, %reduce_or3A_1238, %reduce_or3A_1239 : f32
      scf.yield %mul3A_1229, %reduce_or3A_1240 : vector<1x128xf32>, i1
    }
    %swap3A_164 = arith.constant 0 : index
    %swap3A_165 = arith.constant 128 : index
    %swap3A_166 = vector.load %arg3[%swap3A_164, %swap3A_165] : memref<1x2048xf32, #tpu.memory_space<vmem>>, vector<1x128xf32>
    tpu.vector_store %arg3[%swap3A_164, %swap3A_165], %while3A_163#0 {strides = array<i32>} : memref<1x2048xf32, #tpu.memory_space<vmem>>, vector<1x128xf32>,
    %get3A_167 = arith.constant 0 : index
    %get3A_168 = arith.constant 256 : index
    %get3A_169 = vector.load %arg0[%get3A_167, %get3A_168] : memref<4x2048xf32, #tpu.memory_space<vmem>>, vector<1x128xf32>
    %get3A_170 = arith.constant 1 : index
    %get3A_171 = arith.constant 256 : index
    %get3A_172 = vector.load %arg0[%get3A_170, %get3A_171] : memref<4x2048xf32, #tpu.memory_space<vmem>>, vector<1x128xf32>
    %get3A_173 = arith.constant 2 : index
    %get3A_174 = arith.constant 256 : index
    %get3A_175 = vector.load %arg0[%get3A_173, %get3A_174] : memref<4x2048xf32, #tpu.memory_space<vmem>>, vector<1x128xf32>
    %get3A_176 = arith.constant 3 : index
    %get3A_177 = arith.constant 256 : index
    %get3A_178 = vector.load %arg0[%get3A_176, %get3A_177] : memref<4x2048xf32, #tpu.memory_space<vmem>>, vector<1x128xf32>
    %sub3A_179 = arith.subf %get3A_175, %get3A_169 : vector<1x128xf32>
    %sub3A_180 = arith.subf %get3A_178, %get3A_172 : vector<1x128xf32>
    %mul3A_181 = arith.mulf %sub3A_179, %sub3A_180 : vector<1x128xf32>
    %max3A_182 = vector.broadcast %get3A_12 : vector<2048x1xf32> to vector<2048x128xf32>
    %max3A_183 = vector.broadcast %get3A_169 : vector<1x128xf32> to vector<2048x128xf32>
    %max3A_184 = arith.maximumf %max3A_182, %max3A_183 : vector<2048x128xf32>
    %max3A_185 = vector.broadcast %get3A_15 : vector<2048x1xf32> to vector<2048x128xf32>
    %max3A_186 = vector.broadcast %get3A_172 : vector<1x128xf32> to vector<2048x128xf32>
    %max3A_187 = arith.maximumf %max3A_185, %max3A_186 : vector<2048x128xf32>
    %min3A_188 = vector.broadcast %get3A_18 : vector<2048x1xf32> to vector<2048x128xf32>
    %min3A_189 = vector.broadcast %get3A_175 : vector<1x128xf32> to vector<2048x128xf32>
    %min3A_190 = arith.minimumf %min3A_188, %min3A_189 : vector<2048x128xf32>
    %min3A_191 = vector.broadcast %get3A_21 : vector<2048x1xf32> to vector<2048x128xf32>
    %min3A_192 = vector.broadcast %get3A_178 : vector<1x128xf32> to vector<2048x128xf32>
    %min3A_193 = arith.minimumf %min3A_191, %min3A_192 : vector<2048x128xf32>
    %sub3A_194 = arith.subf %min3A_190, %max3A_184 : vector<2048x128xf32>
    %max3A_195 = arith.constant 0.000000e+00 : f32
    %max3A_196 = vector.broadcast %max3A_195 : f32 to vector<2048x128xf32>
    %max3A_197 = arith.maximumf %sub3A_194, %max3A_196 : vector<2048x128xf32>
    %sub3A_198 = arith.subf %min3A_193, %max3A_187 : vector<2048x128xf32>
    %max3A_199 = arith.constant 0.000000e+00 : f32
    %max3A_200 = vector.broadcast %max3A_199 : f32 to vector<2048x128xf32>
    %max3A_201 = arith.maximumf %sub3A_198, %max3A_200 : vector<2048x128xf32>
    %mul3A_202 = arith.mulf %max3A_197, %max3A_201 : vector<2048x128xf32>
    %add3A_203 = vector.broadcast %mul3A : vector<2048x1xf32> to vector<2048x128xf32>
    %add3A_204 = vector.broadcast %mul3A_181 : vector<1x128xf32> to vector<2048x128xf32>
    %add3A_205 = arith.addf %add3A_203, %add3A_204 : vector<2048x128xf32>
    %sub3A_206 = arith.subf %add3A_205, %mul3A_202 : vector<2048x128xf32>
    %add3A_207 = arith.constant 9.99999971E-10 : f32
    %add3A_208 = vector.broadcast %add3A_207 : f32 to vector<2048x128xf32>
    %add3A_209 = arith.addf %sub3A_206, %add3A_208 : vector<2048x128xf32>
    %div3A_210 = arith.divf %mul3A_202, %add3A_209 : vector<2048x128xf32>
    %gt3A_211 = arith.constant 0.699999988 : f32
    %gt3A_212 = vector.broadcast %gt3A_211 : f32 to vector<2048x128xf32>
    %gt3A_213 = arith.cmpf ogt, %div3A_210, %gt3A_212 : vector<2048x128xf32>
    %jit3A_214 = arith.constant 1.000000e+00 : f32
    %jit3A_215 = arith.constant 0.000000e+00 : f32
    %broadcast_in_dim3A_216 = vector.broadcast %jit3A_214 : f32 to vector<2048x128xf32>
    %broadcast_in_dim3A_217 = vector.broadcast %jit3A_215 : f32 to vector<2048x128xf32>
    %select_n3A_218 = arith.select %gt3A_213, %broadcast_in_dim3A_216, %broadcast_in_dim3A_217 : vector<2048x128xi1>, vector<2048x128xf32>
    %get3A_219 = arith.constant 0 : index
    %get3A_220 = arith.constant 0 : index
    %get3A_221 = vector.load %arg3[%get3A_219, %get3A_220] : memref<1x2048xf32, #tpu.memory_space<vmem>>, vector<1x2048xf32>
    %dot_general3A_222 = arith.constant dense<0.000000e+00> : vector<1x128xf32>
    %dot_general3A_223 = tpu.matmul %get3A_221, %select_n3A_218, %dot_general3A_222 {dimension_numbers = #tpu.dot_dimension_numbers<[1], [0], [0], [1], [0, 0, 1, 1], [], []>, transpose_lhs_hint = false} : vector<1x2048xf32>, vector<2048x128xf32>, vector<1x128xf32> -> vector<1x128xf32>
    %gt3A_224 = arith.constant 0.000000e+00 : f32
    %gt3A_225 = vector.broadcast %gt3A_224 : f32 to vector<1x128xf32>
    %gt3A_226 = arith.cmpf ogt, %dot_general3A_223, %gt3A_225 : vector<1x128xf32>
    %jit3A_227 = arith.constant 0.000000e+00 : f32
    %jit3A_228 = arith.constant 1.000000e+00 : f32
    %broadcast_in_dim3A_229 = vector.broadcast %jit3A_227 : f32 to vector<1x128xf32>
    %broadcast_in_dim3A_230 = vector.broadcast %jit3A_228 : f32 to vector<1x128xf32>
    %select_n3A_231 = arith.select %gt3A_226, %broadcast_in_dim3A_229, %broadcast_in_dim3A_230 : vector<1x128xi1>, vector<1x128xf32>
    %lt3A_232 = arith.cmpi slt, %iota3A, %iota3A_27 : vector<128x128xi32>
    %slice3A_233 = vector.extract_strided_slice %select_n3A_218 {offsets = [256, 0], sizes = [128, 128], strides = [1, 1]} : vector<2048x128xf32> to vector<128x128xf32>
    %jit3A_234 = arith.constant 0.000000e+00 : f32
    %broadcast_in_dim3A_235 = vector.broadcast %jit3A_234 : f32 to vector<128x128xf32>
    %select_n3A_236 = arith.select %lt3A_232, %slice3A_233, %broadcast_in_dim3A_235 : vector<128x128xi1>, vector<128x128xf32>
    %while3A_237 = arith.constant true
    %while3A_238:2 = scf.while (%while3A_1217 = %select_n3A_231, %while3A_1218 = %while3A_237) : (vector<1x128xf32>, i1) -> (vector<1x128xf32>, i1) {
      scf.condition(%while3A_1218) %while3A_1217, %while3A_1218 : vector<1x128xf32>, i1
    } do {
    ^bb0(%while3A_1217: vector<1x128xf32>, %while3A_1218: i1):
      %dot_general3A_1219 = arith.constant dense<0.000000e+00> : vector<1x128xf32>
      %dot_general3A_1220 = tpu.matmul %while3A_1217, %select_n3A_236, %dot_general3A_1219 {dimension_numbers = #tpu.dot_dimension_numbers<[1], [0], [0], [1], [0, 0, 1, 1], [], []>, transpose_lhs_hint = false} : vector<1x128xf32>, vector<128x128xf32>, vector<1x128xf32> -> vector<1x128xf32>
      %gt3A_1221 = arith.constant 0.000000e+00 : f32
      %gt3A_1222 = vector.broadcast %gt3A_1221 : f32 to vector<1x128xf32>
      %gt3A_1223 = arith.cmpf ogt, %dot_general3A_1220, %gt3A_1222 : vector<1x128xf32>
      %jit3A_1224 = arith.constant 0.000000e+00 : f32
      %jit3A_1225 = arith.constant 1.000000e+00 : f32
      %broadcast_in_dim3A_1226 = vector.broadcast %jit3A_1224 : f32 to vector<1x128xf32>
      %broadcast_in_dim3A_1227 = vector.broadcast %jit3A_1225 : f32 to vector<1x128xf32>
      %select_n3A_1228 = arith.select %gt3A_1223, %broadcast_in_dim3A_1226, %broadcast_in_dim3A_1227 : vector<1x128xi1>, vector<1x128xf32>
      %mul3A_1229 = arith.mulf %select_n3A_231, %select_n3A_1228 : vector<1x128xf32>
      %ne3A = arith.cmpf one, %mul3A_1229, %while3A_1217 : vector<1x128xf32>
      %reduce_or3A = arith.constant 1.000000e+00 : f32
      %reduce_or3A_1230 = arith.constant 0.000000e+00 : f32
      %reduce_or3A_1231 = vector.broadcast %reduce_or3A : f32 to vector<1x128xf32>
      %reduce_or3A_1232 = vector.broadcast %reduce_or3A_1230 : f32 to vector<1x128xf32>
      %reduce_or3A_1233 = arith.select %ne3A, %reduce_or3A_1231, %reduce_or3A_1232 : vector<1x128xi1>, vector<1x128xf32>
      %reduce_or3A_1234 = vector.shape_cast %reduce_or3A_1233 : vector<1x128xf32> to vector<1x1x128xf32>
      %reduce_or3A_1235 = arith.constant dense<0xFF800000> : vector<1xf32>
      %reduce_or3A_1236 = vector.multi_reduction <maximumf>, %reduce_or3A_1234, %reduce_or3A_1235 [1, 2] : vector<1x1x128xf32> to vector<1xf32>
      %reduce_or3A_1237 = vector.shape_cast %reduce_or3A_1236 : vector<1xf32> to vector<1x1x1xf32>
      %reduce_or3A_1238 = vector.extract %reduce_or3A_1237[0, 0, 0] : f32 from vector<1x1x1xf32>
      %reduce_or3A_1239 = arith.constant 0.000000e+00 : f32
      %reduce_or3A_1240 = arith.cmpf ogt, %reduce_or3A_1238, %reduce_or3A_1239 : f32
      scf.yield %mul3A_1229, %reduce_or3A_1240 : vector<1x128xf32>, i1
    }
    %swap3A_239 = arith.constant 0 : index
    %swap3A_240 = arith.constant 256 : index
    %swap3A_241 = vector.load %arg3[%swap3A_239, %swap3A_240] : memref<1x2048xf32, #tpu.memory_space<vmem>>, vector<1x128xf32>
    tpu.vector_store %arg3[%swap3A_239, %swap3A_240], %while3A_238#0 {strides = array<i32>} : memref<1x2048xf32, #tpu.memory_space<vmem>>, vector<1x128xf32>,
    %get3A_242 = arith.constant 0 : index
    %get3A_243 = arith.constant 384 : index
    %get3A_244 = vector.load %arg0[%get3A_242, %get3A_243] : memref<4x2048xf32, #tpu.memory_space<vmem>>, vector<1x128xf32>
    %get3A_245 = arith.constant 1 : index
    %get3A_246 = arith.constant 384 : index
    %get3A_247 = vector.load %arg0[%get3A_245, %get3A_246] : memref<4x2048xf32, #tpu.memory_space<vmem>>, vector<1x128xf32>
    %get3A_248 = arith.constant 2 : index
    %get3A_249 = arith.constant 384 : index
    %get3A_250 = vector.load %arg0[%get3A_248, %get3A_249] : memref<4x2048xf32, #tpu.memory_space<vmem>>, vector<1x128xf32>
    %get3A_251 = arith.constant 3 : index
    %get3A_252 = arith.constant 384 : index
    %get3A_253 = vector.load %arg0[%get3A_251, %get3A_252] : memref<4x2048xf32, #tpu.memory_space<vmem>>, vector<1x128xf32>
    %sub3A_254 = arith.subf %get3A_250, %get3A_244 : vector<1x128xf32>
    %sub3A_255 = arith.subf %get3A_253, %get3A_247 : vector<1x128xf32>
    %mul3A_256 = arith.mulf %sub3A_254, %sub3A_255 : vector<1x128xf32>
    %max3A_257 = vector.broadcast %get3A_12 : vector<2048x1xf32> to vector<2048x128xf32>
    %max3A_258 = vector.broadcast %get3A_244 : vector<1x128xf32> to vector<2048x128xf32>
    %max3A_259 = arith.maximumf %max3A_257, %max3A_258 : vector<2048x128xf32>
    %max3A_260 = vector.broadcast %get3A_15 : vector<2048x1xf32> to vector<2048x128xf32>
    %max3A_261 = vector.broadcast %get3A_247 : vector<1x128xf32> to vector<2048x128xf32>
    %max3A_262 = arith.maximumf %max3A_260, %max3A_261 : vector<2048x128xf32>
    %min3A_263 = vector.broadcast %get3A_18 : vector<2048x1xf32> to vector<2048x128xf32>
    %min3A_264 = vector.broadcast %get3A_250 : vector<1x128xf32> to vector<2048x128xf32>
    %min3A_265 = arith.minimumf %min3A_263, %min3A_264 : vector<2048x128xf32>
    %min3A_266 = vector.broadcast %get3A_21 : vector<2048x1xf32> to vector<2048x128xf32>
    %min3A_267 = vector.broadcast %get3A_253 : vector<1x128xf32> to vector<2048x128xf32>
    %min3A_268 = arith.minimumf %min3A_266, %min3A_267 : vector<2048x128xf32>
    %sub3A_269 = arith.subf %min3A_265, %max3A_259 : vector<2048x128xf32>
    %max3A_270 = arith.constant 0.000000e+00 : f32
    %max3A_271 = vector.broadcast %max3A_270 : f32 to vector<2048x128xf32>
    %max3A_272 = arith.maximumf %sub3A_269, %max3A_271 : vector<2048x128xf32>
    %sub3A_273 = arith.subf %min3A_268, %max3A_262 : vector<2048x128xf32>
    %max3A_274 = arith.constant 0.000000e+00 : f32
    %max3A_275 = vector.broadcast %max3A_274 : f32 to vector<2048x128xf32>
    %max3A_276 = arith.maximumf %sub3A_273, %max3A_275 : vector<2048x128xf32>
    %mul3A_277 = arith.mulf %max3A_272, %max3A_276 : vector<2048x128xf32>
    %add3A_278 = vector.broadcast %mul3A : vector<2048x1xf32> to vector<2048x128xf32>
    %add3A_279 = vector.broadcast %mul3A_256 : vector<1x128xf32> to vector<2048x128xf32>
    %add3A_280 = arith.addf %add3A_278, %add3A_279 : vector<2048x128xf32>
    %sub3A_281 = arith.subf %add3A_280, %mul3A_277 : vector<2048x128xf32>
    %add3A_282 = arith.constant 9.99999971E-10 : f32
    %add3A_283 = vector.broadcast %add3A_282 : f32 to vector<2048x128xf32>
    %add3A_284 = arith.addf %sub3A_281, %add3A_283 : vector<2048x128xf32>
    %div3A_285 = arith.divf %mul3A_277, %add3A_284 : vector<2048x128xf32>
    %gt3A_286 = arith.constant 0.699999988 : f32
    %gt3A_287 = vector.broadcast %gt3A_286 : f32 to vector<2048x128xf32>
    %gt3A_288 = arith.cmpf ogt, %div3A_285, %gt3A_287 : vector<2048x128xf32>
    %jit3A_289 = arith.constant 1.000000e+00 : f32
    %jit3A_290 = arith.constant 0.000000e+00 : f32
    %broadcast_in_dim3A_291 = vector.broadcast %jit3A_289 : f32 to vector<2048x128xf32>
    %broadcast_in_dim3A_292 = vector.broadcast %jit3A_290 : f32 to vector<2048x128xf32>
    %select_n3A_293 = arith.select %gt3A_288, %broadcast_in_dim3A_291, %broadcast_in_dim3A_292 : vector<2048x128xi1>, vector<2048x128xf32>
    %get3A_294 = arith.constant 0 : index
    %get3A_295 = arith.constant 0 : index
    %get3A_296 = vector.load %arg3[%get3A_294, %get3A_295] : memref<1x2048xf32, #tpu.memory_space<vmem>>, vector<1x2048xf32>
    %dot_general3A_297 = arith.constant dense<0.000000e+00> : vector<1x128xf32>
    %dot_general3A_298 = tpu.matmul %get3A_296, %select_n3A_293, %dot_general3A_297 {dimension_numbers = #tpu.dot_dimension_numbers<[1], [0], [0], [1], [0, 0, 1, 1], [], []>, transpose_lhs_hint = false} : vector<1x2048xf32>, vector<2048x128xf32>, vector<1x128xf32> -> vector<1x128xf32>
    %gt3A_299 = arith.constant 0.000000e+00 : f32
    %gt3A_300 = vector.broadcast %gt3A_299 : f32 to vector<1x128xf32>
    %gt3A_301 = arith.cmpf ogt, %dot_general3A_298, %gt3A_300 : vector<1x128xf32>
    %jit3A_302 = arith.constant 0.000000e+00 : f32
    %jit3A_303 = arith.constant 1.000000e+00 : f32
    %broadcast_in_dim3A_304 = vector.broadcast %jit3A_302 : f32 to vector<1x128xf32>
    %broadcast_in_dim3A_305 = vector.broadcast %jit3A_303 : f32 to vector<1x128xf32>
    %select_n3A_306 = arith.select %gt3A_301, %broadcast_in_dim3A_304, %broadcast_in_dim3A_305 : vector<1x128xi1>, vector<1x128xf32>
    %lt3A_307 = arith.cmpi slt, %iota3A, %iota3A_27 : vector<128x128xi32>
    %slice3A_308 = vector.extract_strided_slice %select_n3A_293 {offsets = [384, 0], sizes = [128, 128], strides = [1, 1]} : vector<2048x128xf32> to vector<128x128xf32>
    %jit3A_309 = arith.constant 0.000000e+00 : f32
    %broadcast_in_dim3A_310 = vector.broadcast %jit3A_309 : f32 to vector<128x128xf32>
    %select_n3A_311 = arith.select %lt3A_307, %slice3A_308, %broadcast_in_dim3A_310 : vector<128x128xi1>, vector<128x128xf32>
    %while3A_312 = arith.constant true
    %while3A_313:2 = scf.while (%while3A_1217 = %select_n3A_306, %while3A_1218 = %while3A_312) : (vector<1x128xf32>, i1) -> (vector<1x128xf32>, i1) {
      scf.condition(%while3A_1218) %while3A_1217, %while3A_1218 : vector<1x128xf32>, i1
    } do {
    ^bb0(%while3A_1217: vector<1x128xf32>, %while3A_1218: i1):
      %dot_general3A_1219 = arith.constant dense<0.000000e+00> : vector<1x128xf32>
      %dot_general3A_1220 = tpu.matmul %while3A_1217, %select_n3A_311, %dot_general3A_1219 {dimension_numbers = #tpu.dot_dimension_numbers<[1], [0], [0], [1], [0, 0, 1, 1], [], []>, transpose_lhs_hint = false} : vector<1x128xf32>, vector<128x128xf32>, vector<1x128xf32> -> vector<1x128xf32>
      %gt3A_1221 = arith.constant 0.000000e+00 : f32
      %gt3A_1222 = vector.broadcast %gt3A_1221 : f32 to vector<1x128xf32>
      %gt3A_1223 = arith.cmpf ogt, %dot_general3A_1220, %gt3A_1222 : vector<1x128xf32>
      %jit3A_1224 = arith.constant 0.000000e+00 : f32
      %jit3A_1225 = arith.constant 1.000000e+00 : f32
      %broadcast_in_dim3A_1226 = vector.broadcast %jit3A_1224 : f32 to vector<1x128xf32>
      %broadcast_in_dim3A_1227 = vector.broadcast %jit3A_1225 : f32 to vector<1x128xf32>
      %select_n3A_1228 = arith.select %gt3A_1223, %broadcast_in_dim3A_1226, %broadcast_in_dim3A_1227 : vector<1x128xi1>, vector<1x128xf32>
      %mul3A_1229 = arith.mulf %select_n3A_306, %select_n3A_1228 : vector<1x128xf32>
      %ne3A = arith.cmpf one, %mul3A_1229, %while3A_1217 : vector<1x128xf32>
      %reduce_or3A = arith.constant 1.000000e+00 : f32
      %reduce_or3A_1230 = arith.constant 0.000000e+00 : f32
      %reduce_or3A_1231 = vector.broadcast %reduce_or3A : f32 to vector<1x128xf32>
      %reduce_or3A_1232 = vector.broadcast %reduce_or3A_1230 : f32 to vector<1x128xf32>
      %reduce_or3A_1233 = arith.select %ne3A, %reduce_or3A_1231, %reduce_or3A_1232 : vector<1x128xi1>, vector<1x128xf32>
      %reduce_or3A_1234 = vector.shape_cast %reduce_or3A_1233 : vector<1x128xf32> to vector<1x1x128xf32>
      %reduce_or3A_1235 = arith.constant dense<0xFF800000> : vector<1xf32>
      %reduce_or3A_1236 = vector.multi_reduction <maximumf>, %reduce_or3A_1234, %reduce_or3A_1235 [1, 2] : vector<1x1x128xf32> to vector<1xf32>
      %reduce_or3A_1237 = vector.shape_cast %reduce_or3A_1236 : vector<1xf32> to vector<1x1x1xf32>
      %reduce_or3A_1238 = vector.extract %reduce_or3A_1237[0, 0, 0] : f32 from vector<1x1x1xf32>
      %reduce_or3A_1239 = arith.constant 0.000000e+00 : f32
      %reduce_or3A_1240 = arith.cmpf ogt, %reduce_or3A_1238, %reduce_or3A_1239 : f32
      scf.yield %mul3A_1229, %reduce_or3A_1240 : vector<1x128xf32>, i1
    }
    %swap3A_314 = arith.constant 0 : index
    %swap3A_315 = arith.constant 384 : index
    %swap3A_316 = vector.load %arg3[%swap3A_314, %swap3A_315] : memref<1x2048xf32, #tpu.memory_space<vmem>>, vector<1x128xf32>
    tpu.vector_store %arg3[%swap3A_314, %swap3A_315], %while3A_313#0 {strides = array<i32>} : memref<1x2048xf32, #tpu.memory_space<vmem>>, vector<1x128xf32>,
    %get3A_317 = arith.constant 0 : index
    %get3A_318 = arith.constant 512 : index
    %get3A_319 = vector.load %arg0[%get3A_317, %get3A_318] : memref<4x2048xf32, #tpu.memory_space<vmem>>, vector<1x128xf32>
    %get3A_320 = arith.constant 1 : index
    %get3A_321 = arith.constant 512 : index
    %get3A_322 = vector.load %arg0[%get3A_320, %get3A_321] : memref<4x2048xf32, #tpu.memory_space<vmem>>, vector<1x128xf32>
    %get3A_323 = arith.constant 2 : index
    %get3A_324 = arith.constant 512 : index
    %get3A_325 = vector.load %arg0[%get3A_323, %get3A_324] : memref<4x2048xf32, #tpu.memory_space<vmem>>, vector<1x128xf32>
    %get3A_326 = arith.constant 3 : index
    %get3A_327 = arith.constant 512 : index
    %get3A_328 = vector.load %arg0[%get3A_326, %get3A_327] : memref<4x2048xf32, #tpu.memory_space<vmem>>, vector<1x128xf32>
    %sub3A_329 = arith.subf %get3A_325, %get3A_319 : vector<1x128xf32>
    %sub3A_330 = arith.subf %get3A_328, %get3A_322 : vector<1x128xf32>
    %mul3A_331 = arith.mulf %sub3A_329, %sub3A_330 : vector<1x128xf32>
    %max3A_332 = vector.broadcast %get3A_12 : vector<2048x1xf32> to vector<2048x128xf32>
    %max3A_333 = vector.broadcast %get3A_319 : vector<1x128xf32> to vector<2048x128xf32>
    %max3A_334 = arith.maximumf %max3A_332, %max3A_333 : vector<2048x128xf32>
    %max3A_335 = vector.broadcast %get3A_15 : vector<2048x1xf32> to vector<2048x128xf32>
    %max3A_336 = vector.broadcast %get3A_322 : vector<1x128xf32> to vector<2048x128xf32>
    %max3A_337 = arith.maximumf %max3A_335, %max3A_336 : vector<2048x128xf32>
    %min3A_338 = vector.broadcast %get3A_18 : vector<2048x1xf32> to vector<2048x128xf32>
    %min3A_339 = vector.broadcast %get3A_325 : vector<1x128xf32> to vector<2048x128xf32>
    %min3A_340 = arith.minimumf %min3A_338, %min3A_339 : vector<2048x128xf32>
    %min3A_341 = vector.broadcast %get3A_21 : vector<2048x1xf32> to vector<2048x128xf32>
    %min3A_342 = vector.broadcast %get3A_328 : vector<1x128xf32> to vector<2048x128xf32>
    %min3A_343 = arith.minimumf %min3A_341, %min3A_342 : vector<2048x128xf32>
    %sub3A_344 = arith.subf %min3A_340, %max3A_334 : vector<2048x128xf32>
    %max3A_345 = arith.constant 0.000000e+00 : f32
    %max3A_346 = vector.broadcast %max3A_345 : f32 to vector<2048x128xf32>
    %max3A_347 = arith.maximumf %sub3A_344, %max3A_346 : vector<2048x128xf32>
    %sub3A_348 = arith.subf %min3A_343, %max3A_337 : vector<2048x128xf32>
    %max3A_349 = arith.constant 0.000000e+00 : f32
    %max3A_350 = vector.broadcast %max3A_349 : f32 to vector<2048x128xf32>
    %max3A_351 = arith.maximumf %sub3A_348, %max3A_350 : vector<2048x128xf32>
    %mul3A_352 = arith.mulf %max3A_347, %max3A_351 : vector<2048x128xf32>
    %add3A_353 = vector.broadcast %mul3A : vector<2048x1xf32> to vector<2048x128xf32>
    %add3A_354 = vector.broadcast %mul3A_331 : vector<1x128xf32> to vector<2048x128xf32>
    %add3A_355 = arith.addf %add3A_353, %add3A_354 : vector<2048x128xf32>
    %sub3A_356 = arith.subf %add3A_355, %mul3A_352 : vector<2048x128xf32>
    %add3A_357 = arith.constant 9.99999971E-10 : f32
    %add3A_358 = vector.broadcast %add3A_357 : f32 to vector<2048x128xf32>
    %add3A_359 = arith.addf %sub3A_356, %add3A_358 : vector<2048x128xf32>
    %div3A_360 = arith.divf %mul3A_352, %add3A_359 : vector<2048x128xf32>
    %gt3A_361 = arith.constant 0.699999988 : f32
    %gt3A_362 = vector.broadcast %gt3A_361 : f32 to vector<2048x128xf32>
    %gt3A_363 = arith.cmpf ogt, %div3A_360, %gt3A_362 : vector<2048x128xf32>
    %jit3A_364 = arith.constant 1.000000e+00 : f32
    %jit3A_365 = arith.constant 0.000000e+00 : f32
    %broadcast_in_dim3A_366 = vector.broadcast %jit3A_364 : f32 to vector<2048x128xf32>
    %broadcast_in_dim3A_367 = vector.broadcast %jit3A_365 : f32 to vector<2048x128xf32>
    %select_n3A_368 = arith.select %gt3A_363, %broadcast_in_dim3A_366, %broadcast_in_dim3A_367 : vector<2048x128xi1>, vector<2048x128xf32>
    %get3A_369 = arith.constant 0 : index
    %get3A_370 = arith.constant 0 : index
    %get3A_371 = vector.load %arg3[%get3A_369, %get3A_370] : memref<1x2048xf32, #tpu.memory_space<vmem>>, vector<1x2048xf32>
    %dot_general3A_372 = arith.constant dense<0.000000e+00> : vector<1x128xf32>
    %dot_general3A_373 = tpu.matmul %get3A_371, %select_n3A_368, %dot_general3A_372 {dimension_numbers = #tpu.dot_dimension_numbers<[1], [0], [0], [1], [0, 0, 1, 1], [], []>, transpose_lhs_hint = false} : vector<1x2048xf32>, vector<2048x128xf32>, vector<1x128xf32> -> vector<1x128xf32>
    %gt3A_374 = arith.constant 0.000000e+00 : f32
    %gt3A_375 = vector.broadcast %gt3A_374 : f32 to vector<1x128xf32>
    %gt3A_376 = arith.cmpf ogt, %dot_general3A_373, %gt3A_375 : vector<1x128xf32>
    %jit3A_377 = arith.constant 0.000000e+00 : f32
    %jit3A_378 = arith.constant 1.000000e+00 : f32
    %broadcast_in_dim3A_379 = vector.broadcast %jit3A_377 : f32 to vector<1x128xf32>
    %broadcast_in_dim3A_380 = vector.broadcast %jit3A_378 : f32 to vector<1x128xf32>
    %select_n3A_381 = arith.select %gt3A_376, %broadcast_in_dim3A_379, %broadcast_in_dim3A_380 : vector<1x128xi1>, vector<1x128xf32>
    %lt3A_382 = arith.cmpi slt, %iota3A, %iota3A_27 : vector<128x128xi32>
    %slice3A_383 = vector.extract_strided_slice %select_n3A_368 {offsets = [512, 0], sizes = [128, 128], strides = [1, 1]} : vector<2048x128xf32> to vector<128x128xf32>
    %jit3A_384 = arith.constant 0.000000e+00 : f32
    %broadcast_in_dim3A_385 = vector.broadcast %jit3A_384 : f32 to vector<128x128xf32>
    %select_n3A_386 = arith.select %lt3A_382, %slice3A_383, %broadcast_in_dim3A_385 : vector<128x128xi1>, vector<128x128xf32>
    %while3A_387 = arith.constant true
    %while3A_388:2 = scf.while (%while3A_1217 = %select_n3A_381, %while3A_1218 = %while3A_387) : (vector<1x128xf32>, i1) -> (vector<1x128xf32>, i1) {
      scf.condition(%while3A_1218) %while3A_1217, %while3A_1218 : vector<1x128xf32>, i1
    } do {
    ^bb0(%while3A_1217: vector<1x128xf32>, %while3A_1218: i1):
      %dot_general3A_1219 = arith.constant dense<0.000000e+00> : vector<1x128xf32>
      %dot_general3A_1220 = tpu.matmul %while3A_1217, %select_n3A_386, %dot_general3A_1219 {dimension_numbers = #tpu.dot_dimension_numbers<[1], [0], [0], [1], [0, 0, 1, 1], [], []>, transpose_lhs_hint = false} : vector<1x128xf32>, vector<128x128xf32>, vector<1x128xf32> -> vector<1x128xf32>
      %gt3A_1221 = arith.constant 0.000000e+00 : f32
      %gt3A_1222 = vector.broadcast %gt3A_1221 : f32 to vector<1x128xf32>
      %gt3A_1223 = arith.cmpf ogt, %dot_general3A_1220, %gt3A_1222 : vector<1x128xf32>
      %jit3A_1224 = arith.constant 0.000000e+00 : f32
      %jit3A_1225 = arith.constant 1.000000e+00 : f32
      %broadcast_in_dim3A_1226 = vector.broadcast %jit3A_1224 : f32 to vector<1x128xf32>
      %broadcast_in_dim3A_1227 = vector.broadcast %jit3A_1225 : f32 to vector<1x128xf32>
      %select_n3A_1228 = arith.select %gt3A_1223, %broadcast_in_dim3A_1226, %broadcast_in_dim3A_1227 : vector<1x128xi1>, vector<1x128xf32>
      %mul3A_1229 = arith.mulf %select_n3A_381, %select_n3A_1228 : vector<1x128xf32>
      %ne3A = arith.cmpf one, %mul3A_1229, %while3A_1217 : vector<1x128xf32>
      %reduce_or3A = arith.constant 1.000000e+00 : f32
      %reduce_or3A_1230 = arith.constant 0.000000e+00 : f32
      %reduce_or3A_1231 = vector.broadcast %reduce_or3A : f32 to vector<1x128xf32>
      %reduce_or3A_1232 = vector.broadcast %reduce_or3A_1230 : f32 to vector<1x128xf32>
      %reduce_or3A_1233 = arith.select %ne3A, %reduce_or3A_1231, %reduce_or3A_1232 : vector<1x128xi1>, vector<1x128xf32>
      %reduce_or3A_1234 = vector.shape_cast %reduce_or3A_1233 : vector<1x128xf32> to vector<1x1x128xf32>
      %reduce_or3A_1235 = arith.constant dense<0xFF800000> : vector<1xf32>
      %reduce_or3A_1236 = vector.multi_reduction <maximumf>, %reduce_or3A_1234, %reduce_or3A_1235 [1, 2] : vector<1x1x128xf32> to vector<1xf32>
      %reduce_or3A_1237 = vector.shape_cast %reduce_or3A_1236 : vector<1xf32> to vector<1x1x1xf32>
      %reduce_or3A_1238 = vector.extract %reduce_or3A_1237[0, 0, 0] : f32 from vector<1x1x1xf32>
      %reduce_or3A_1239 = arith.constant 0.000000e+00 : f32
      %reduce_or3A_1240 = arith.cmpf ogt, %reduce_or3A_1238, %reduce_or3A_1239 : f32
      scf.yield %mul3A_1229, %reduce_or3A_1240 : vector<1x128xf32>, i1
    }
    %swap3A_389 = arith.constant 0 : index
    %swap3A_390 = arith.constant 512 : index
    %swap3A_391 = vector.load %arg3[%swap3A_389, %swap3A_390] : memref<1x2048xf32, #tpu.memory_space<vmem>>, vector<1x128xf32>
    tpu.vector_store %arg3[%swap3A_389, %swap3A_390], %while3A_388#0 {strides = array<i32>} : memref<1x2048xf32, #tpu.memory_space<vmem>>, vector<1x128xf32>,
    %get3A_392 = arith.constant 0 : index
    %get3A_393 = arith.constant 640 : index
    %get3A_394 = vector.load %arg0[%get3A_392, %get3A_393] : memref<4x2048xf32, #tpu.memory_space<vmem>>, vector<1x128xf32>
    %get3A_395 = arith.constant 1 : index
    %get3A_396 = arith.constant 640 : index
    %get3A_397 = vector.load %arg0[%get3A_395, %get3A_396] : memref<4x2048xf32, #tpu.memory_space<vmem>>, vector<1x128xf32>
    %get3A_398 = arith.constant 2 : index
    %get3A_399 = arith.constant 640 : index
    %get3A_400 = vector.load %arg0[%get3A_398, %get3A_399] : memref<4x2048xf32, #tpu.memory_space<vmem>>, vector<1x128xf32>
    %get3A_401 = arith.constant 3 : index
    %get3A_402 = arith.constant 640 : index
    %get3A_403 = vector.load %arg0[%get3A_401, %get3A_402] : memref<4x2048xf32, #tpu.memory_space<vmem>>, vector<1x128xf32>
    %sub3A_404 = arith.subf %get3A_400, %get3A_394 : vector<1x128xf32>
    %sub3A_405 = arith.subf %get3A_403, %get3A_397 : vector<1x128xf32>
    %mul3A_406 = arith.mulf %sub3A_404, %sub3A_405 : vector<1x128xf32>
    %max3A_407 = vector.broadcast %get3A_12 : vector<2048x1xf32> to vector<2048x128xf32>
    %max3A_408 = vector.broadcast %get3A_394 : vector<1x128xf32> to vector<2048x128xf32>
    %max3A_409 = arith.maximumf %max3A_407, %max3A_408 : vector<2048x128xf32>
    %max3A_410 = vector.broadcast %get3A_15 : vector<2048x1xf32> to vector<2048x128xf32>
    %max3A_411 = vector.broadcast %get3A_397 : vector<1x128xf32> to vector<2048x128xf32>
    %max3A_412 = arith.maximumf %max3A_410, %max3A_411 : vector<2048x128xf32>
    %min3A_413 = vector.broadcast %get3A_18 : vector<2048x1xf32> to vector<2048x128xf32>
    %min3A_414 = vector.broadcast %get3A_400 : vector<1x128xf32> to vector<2048x128xf32>
    %min3A_415 = arith.minimumf %min3A_413, %min3A_414 : vector<2048x128xf32>
    %min3A_416 = vector.broadcast %get3A_21 : vector<2048x1xf32> to vector<2048x128xf32>
    %min3A_417 = vector.broadcast %get3A_403 : vector<1x128xf32> to vector<2048x128xf32>
    %min3A_418 = arith.minimumf %min3A_416, %min3A_417 : vector<2048x128xf32>
    %sub3A_419 = arith.subf %min3A_415, %max3A_409 : vector<2048x128xf32>
    %max3A_420 = arith.constant 0.000000e+00 : f32
    %max3A_421 = vector.broadcast %max3A_420 : f32 to vector<2048x128xf32>
    %max3A_422 = arith.maximumf %sub3A_419, %max3A_421 : vector<2048x128xf32>
    %sub3A_423 = arith.subf %min3A_418, %max3A_412 : vector<2048x128xf32>
    %max3A_424 = arith.constant 0.000000e+00 : f32
    %max3A_425 = vector.broadcast %max3A_424 : f32 to vector<2048x128xf32>
    %max3A_426 = arith.maximumf %sub3A_423, %max3A_425 : vector<2048x128xf32>
    %mul3A_427 = arith.mulf %max3A_422, %max3A_426 : vector<2048x128xf32>
    %add3A_428 = vector.broadcast %mul3A : vector<2048x1xf32> to vector<2048x128xf32>
    %add3A_429 = vector.broadcast %mul3A_406 : vector<1x128xf32> to vector<2048x128xf32>
    %add3A_430 = arith.addf %add3A_428, %add3A_429 : vector<2048x128xf32>
    %sub3A_431 = arith.subf %add3A_430, %mul3A_427 : vector<2048x128xf32>
    %add3A_432 = arith.constant 9.99999971E-10 : f32
    %add3A_433 = vector.broadcast %add3A_432 : f32 to vector<2048x128xf32>
    %add3A_434 = arith.addf %sub3A_431, %add3A_433 : vector<2048x128xf32>
    %div3A_435 = arith.divf %mul3A_427, %add3A_434 : vector<2048x128xf32>
    %gt3A_436 = arith.constant 0.699999988 : f32
    %gt3A_437 = vector.broadcast %gt3A_436 : f32 to vector<2048x128xf32>
    %gt3A_438 = arith.cmpf ogt, %div3A_435, %gt3A_437 : vector<2048x128xf32>
    %jit3A_439 = arith.constant 1.000000e+00 : f32
    %jit3A_440 = arith.constant 0.000000e+00 : f32
    %broadcast_in_dim3A_441 = vector.broadcast %jit3A_439 : f32 to vector<2048x128xf32>
    %broadcast_in_dim3A_442 = vector.broadcast %jit3A_440 : f32 to vector<2048x128xf32>
    %select_n3A_443 = arith.select %gt3A_438, %broadcast_in_dim3A_441, %broadcast_in_dim3A_442 : vector<2048x128xi1>, vector<2048x128xf32>
    %get3A_444 = arith.constant 0 : index
    %get3A_445 = arith.constant 0 : index
    %get3A_446 = vector.load %arg3[%get3A_444, %get3A_445] : memref<1x2048xf32, #tpu.memory_space<vmem>>, vector<1x2048xf32>
    %dot_general3A_447 = arith.constant dense<0.000000e+00> : vector<1x128xf32>
    %dot_general3A_448 = tpu.matmul %get3A_446, %select_n3A_443, %dot_general3A_447 {dimension_numbers = #tpu.dot_dimension_numbers<[1], [0], [0], [1], [0, 0, 1, 1], [], []>, transpose_lhs_hint = false} : vector<1x2048xf32>, vector<2048x128xf32>, vector<1x128xf32> -> vector<1x128xf32>
    %gt3A_449 = arith.constant 0.000000e+00 : f32
    %gt3A_450 = vector.broadcast %gt3A_449 : f32 to vector<1x128xf32>
    %gt3A_451 = arith.cmpf ogt, %dot_general3A_448, %gt3A_450 : vector<1x128xf32>
    %jit3A_452 = arith.constant 0.000000e+00 : f32
    %jit3A_453 = arith.constant 1.000000e+00 : f32
    %broadcast_in_dim3A_454 = vector.broadcast %jit3A_452 : f32 to vector<1x128xf32>
    %broadcast_in_dim3A_455 = vector.broadcast %jit3A_453 : f32 to vector<1x128xf32>
    %select_n3A_456 = arith.select %gt3A_451, %broadcast_in_dim3A_454, %broadcast_in_dim3A_455 : vector<1x128xi1>, vector<1x128xf32>
    %lt3A_457 = arith.cmpi slt, %iota3A, %iota3A_27 : vector<128x128xi32>
    %slice3A_458 = vector.extract_strided_slice %select_n3A_443 {offsets = [640, 0], sizes = [128, 128], strides = [1, 1]} : vector<2048x128xf32> to vector<128x128xf32>
    %jit3A_459 = arith.constant 0.000000e+00 : f32
    %broadcast_in_dim3A_460 = vector.broadcast %jit3A_459 : f32 to vector<128x128xf32>
    %select_n3A_461 = arith.select %lt3A_457, %slice3A_458, %broadcast_in_dim3A_460 : vector<128x128xi1>, vector<128x128xf32>
    %while3A_462 = arith.constant true
    %while3A_463:2 = scf.while (%while3A_1217 = %select_n3A_456, %while3A_1218 = %while3A_462) : (vector<1x128xf32>, i1) -> (vector<1x128xf32>, i1) {
      scf.condition(%while3A_1218) %while3A_1217, %while3A_1218 : vector<1x128xf32>, i1
    } do {
    ^bb0(%while3A_1217: vector<1x128xf32>, %while3A_1218: i1):
      %dot_general3A_1219 = arith.constant dense<0.000000e+00> : vector<1x128xf32>
      %dot_general3A_1220 = tpu.matmul %while3A_1217, %select_n3A_461, %dot_general3A_1219 {dimension_numbers = #tpu.dot_dimension_numbers<[1], [0], [0], [1], [0, 0, 1, 1], [], []>, transpose_lhs_hint = false} : vector<1x128xf32>, vector<128x128xf32>, vector<1x128xf32> -> vector<1x128xf32>
      %gt3A_1221 = arith.constant 0.000000e+00 : f32
      %gt3A_1222 = vector.broadcast %gt3A_1221 : f32 to vector<1x128xf32>
      %gt3A_1223 = arith.cmpf ogt, %dot_general3A_1220, %gt3A_1222 : vector<1x128xf32>
      %jit3A_1224 = arith.constant 0.000000e+00 : f32
      %jit3A_1225 = arith.constant 1.000000e+00 : f32
      %broadcast_in_dim3A_1226 = vector.broadcast %jit3A_1224 : f32 to vector<1x128xf32>
      %broadcast_in_dim3A_1227 = vector.broadcast %jit3A_1225 : f32 to vector<1x128xf32>
      %select_n3A_1228 = arith.select %gt3A_1223, %broadcast_in_dim3A_1226, %broadcast_in_dim3A_1227 : vector<1x128xi1>, vector<1x128xf32>
      %mul3A_1229 = arith.mulf %select_n3A_456, %select_n3A_1228 : vector<1x128xf32>
      %ne3A = arith.cmpf one, %mul3A_1229, %while3A_1217 : vector<1x128xf32>
      %reduce_or3A = arith.constant 1.000000e+00 : f32
      %reduce_or3A_1230 = arith.constant 0.000000e+00 : f32
      %reduce_or3A_1231 = vector.broadcast %reduce_or3A : f32 to vector<1x128xf32>
      %reduce_or3A_1232 = vector.broadcast %reduce_or3A_1230 : f32 to vector<1x128xf32>
      %reduce_or3A_1233 = arith.select %ne3A, %reduce_or3A_1231, %reduce_or3A_1232 : vector<1x128xi1>, vector<1x128xf32>
      %reduce_or3A_1234 = vector.shape_cast %reduce_or3A_1233 : vector<1x128xf32> to vector<1x1x128xf32>
      %reduce_or3A_1235 = arith.constant dense<0xFF800000> : vector<1xf32>
      %reduce_or3A_1236 = vector.multi_reduction <maximumf>, %reduce_or3A_1234, %reduce_or3A_1235 [1, 2] : vector<1x1x128xf32> to vector<1xf32>
      %reduce_or3A_1237 = vector.shape_cast %reduce_or3A_1236 : vector<1xf32> to vector<1x1x1xf32>
      %reduce_or3A_1238 = vector.extract %reduce_or3A_1237[0, 0, 0] : f32 from vector<1x1x1xf32>
      %reduce_or3A_1239 = arith.constant 0.000000e+00 : f32
      %reduce_or3A_1240 = arith.cmpf ogt, %reduce_or3A_1238, %reduce_or3A_1239 : f32
      scf.yield %mul3A_1229, %reduce_or3A_1240 : vector<1x128xf32>, i1
    }
    %swap3A_464 = arith.constant 0 : index
    %swap3A_465 = arith.constant 640 : index
    %swap3A_466 = vector.load %arg3[%swap3A_464, %swap3A_465] : memref<1x2048xf32, #tpu.memory_space<vmem>>, vector<1x128xf32>
    tpu.vector_store %arg3[%swap3A_464, %swap3A_465], %while3A_463#0 {strides = array<i32>} : memref<1x2048xf32, #tpu.memory_space<vmem>>, vector<1x128xf32>,
    %get3A_467 = arith.constant 0 : index
    %get3A_468 = arith.constant 768 : index
    %get3A_469 = vector.load %arg0[%get3A_467, %get3A_468] : memref<4x2048xf32, #tpu.memory_space<vmem>>, vector<1x128xf32>
    %get3A_470 = arith.constant 1 : index
    %get3A_471 = arith.constant 768 : index
    %get3A_472 = vector.load %arg0[%get3A_470, %get3A_471] : memref<4x2048xf32, #tpu.memory_space<vmem>>, vector<1x128xf32>
    %get3A_473 = arith.constant 2 : index
    %get3A_474 = arith.constant 768 : index
    %get3A_475 = vector.load %arg0[%get3A_473, %get3A_474] : memref<4x2048xf32, #tpu.memory_space<vmem>>, vector<1x128xf32>
    %get3A_476 = arith.constant 3 : index
    %get3A_477 = arith.constant 768 : index
    %get3A_478 = vector.load %arg0[%get3A_476, %get3A_477] : memref<4x2048xf32, #tpu.memory_space<vmem>>, vector<1x128xf32>
    %sub3A_479 = arith.subf %get3A_475, %get3A_469 : vector<1x128xf32>
    %sub3A_480 = arith.subf %get3A_478, %get3A_472 : vector<1x128xf32>
    %mul3A_481 = arith.mulf %sub3A_479, %sub3A_480 : vector<1x128xf32>
    %max3A_482 = vector.broadcast %get3A_12 : vector<2048x1xf32> to vector<2048x128xf32>
    %max3A_483 = vector.broadcast %get3A_469 : vector<1x128xf32> to vector<2048x128xf32>
    %max3A_484 = arith.maximumf %max3A_482, %max3A_483 : vector<2048x128xf32>
    %max3A_485 = vector.broadcast %get3A_15 : vector<2048x1xf32> to vector<2048x128xf32>
    %max3A_486 = vector.broadcast %get3A_472 : vector<1x128xf32> to vector<2048x128xf32>
    %max3A_487 = arith.maximumf %max3A_485, %max3A_486 : vector<2048x128xf32>
    %min3A_488 = vector.broadcast %get3A_18 : vector<2048x1xf32> to vector<2048x128xf32>
    %min3A_489 = vector.broadcast %get3A_475 : vector<1x128xf32> to vector<2048x128xf32>
    %min3A_490 = arith.minimumf %min3A_488, %min3A_489 : vector<2048x128xf32>
    %min3A_491 = vector.broadcast %get3A_21 : vector<2048x1xf32> to vector<2048x128xf32>
    %min3A_492 = vector.broadcast %get3A_478 : vector<1x128xf32> to vector<2048x128xf32>
    %min3A_493 = arith.minimumf %min3A_491, %min3A_492 : vector<2048x128xf32>
    %sub3A_494 = arith.subf %min3A_490, %max3A_484 : vector<2048x128xf32>
    %max3A_495 = arith.constant 0.000000e+00 : f32
    %max3A_496 = vector.broadcast %max3A_495 : f32 to vector<2048x128xf32>
    %max3A_497 = arith.maximumf %sub3A_494, %max3A_496 : vector<2048x128xf32>
    %sub3A_498 = arith.subf %min3A_493, %max3A_487 : vector<2048x128xf32>
    %max3A_499 = arith.constant 0.000000e+00 : f32
    %max3A_500 = vector.broadcast %max3A_499 : f32 to vector<2048x128xf32>
    %max3A_501 = arith.maximumf %sub3A_498, %max3A_500 : vector<2048x128xf32>
    %mul3A_502 = arith.mulf %max3A_497, %max3A_501 : vector<2048x128xf32>
    %add3A_503 = vector.broadcast %mul3A : vector<2048x1xf32> to vector<2048x128xf32>
    %add3A_504 = vector.broadcast %mul3A_481 : vector<1x128xf32> to vector<2048x128xf32>
    %add3A_505 = arith.addf %add3A_503, %add3A_504 : vector<2048x128xf32>
    %sub3A_506 = arith.subf %add3A_505, %mul3A_502 : vector<2048x128xf32>
    %add3A_507 = arith.constant 9.99999971E-10 : f32
    %add3A_508 = vector.broadcast %add3A_507 : f32 to vector<2048x128xf32>
    %add3A_509 = arith.addf %sub3A_506, %add3A_508 : vector<2048x128xf32>
    %div3A_510 = arith.divf %mul3A_502, %add3A_509 : vector<2048x128xf32>
    %gt3A_511 = arith.constant 0.699999988 : f32
    %gt3A_512 = vector.broadcast %gt3A_511 : f32 to vector<2048x128xf32>
    %gt3A_513 = arith.cmpf ogt, %div3A_510, %gt3A_512 : vector<2048x128xf32>
    %jit3A_514 = arith.constant 1.000000e+00 : f32
    %jit3A_515 = arith.constant 0.000000e+00 : f32
    %broadcast_in_dim3A_516 = vector.broadcast %jit3A_514 : f32 to vector<2048x128xf32>
    %broadcast_in_dim3A_517 = vector.broadcast %jit3A_515 : f32 to vector<2048x128xf32>
    %select_n3A_518 = arith.select %gt3A_513, %broadcast_in_dim3A_516, %broadcast_in_dim3A_517 : vector<2048x128xi1>, vector<2048x128xf32>
    %get3A_519 = arith.constant 0 : index
    %get3A_520 = arith.constant 0 : index
    %get3A_521 = vector.load %arg3[%get3A_519, %get3A_520] : memref<1x2048xf32, #tpu.memory_space<vmem>>, vector<1x2048xf32>
    %dot_general3A_522 = arith.constant dense<0.000000e+00> : vector<1x128xf32>
    %dot_general3A_523 = tpu.matmul %get3A_521, %select_n3A_518, %dot_general3A_522 {dimension_numbers = #tpu.dot_dimension_numbers<[1], [0], [0], [1], [0, 0, 1, 1], [], []>, transpose_lhs_hint = false} : vector<1x2048xf32>, vector<2048x128xf32>, vector<1x128xf32> -> vector<1x128xf32>
    %gt3A_524 = arith.constant 0.000000e+00 : f32
    %gt3A_525 = vector.broadcast %gt3A_524 : f32 to vector<1x128xf32>
    %gt3A_526 = arith.cmpf ogt, %dot_general3A_523, %gt3A_525 : vector<1x128xf32>
    %jit3A_527 = arith.constant 0.000000e+00 : f32
    %jit3A_528 = arith.constant 1.000000e+00 : f32
    %broadcast_in_dim3A_529 = vector.broadcast %jit3A_527 : f32 to vector<1x128xf32>
    %broadcast_in_dim3A_530 = vector.broadcast %jit3A_528 : f32 to vector<1x128xf32>
    %select_n3A_531 = arith.select %gt3A_526, %broadcast_in_dim3A_529, %broadcast_in_dim3A_530 : vector<1x128xi1>, vector<1x128xf32>
    %lt3A_532 = arith.cmpi slt, %iota3A, %iota3A_27 : vector<128x128xi32>
    %slice3A_533 = vector.extract_strided_slice %select_n3A_518 {offsets = [768, 0], sizes = [128, 128], strides = [1, 1]} : vector<2048x128xf32> to vector<128x128xf32>
    %jit3A_534 = arith.constant 0.000000e+00 : f32
    %broadcast_in_dim3A_535 = vector.broadcast %jit3A_534 : f32 to vector<128x128xf32>
    %select_n3A_536 = arith.select %lt3A_532, %slice3A_533, %broadcast_in_dim3A_535 : vector<128x128xi1>, vector<128x128xf32>
    %while3A_537 = arith.constant true
    %while3A_538:2 = scf.while (%while3A_1217 = %select_n3A_531, %while3A_1218 = %while3A_537) : (vector<1x128xf32>, i1) -> (vector<1x128xf32>, i1) {
      scf.condition(%while3A_1218) %while3A_1217, %while3A_1218 : vector<1x128xf32>, i1
    } do {
    ^bb0(%while3A_1217: vector<1x128xf32>, %while3A_1218: i1):
      %dot_general3A_1219 = arith.constant dense<0.000000e+00> : vector<1x128xf32>
      %dot_general3A_1220 = tpu.matmul %while3A_1217, %select_n3A_536, %dot_general3A_1219 {dimension_numbers = #tpu.dot_dimension_numbers<[1], [0], [0], [1], [0, 0, 1, 1], [], []>, transpose_lhs_hint = false} : vector<1x128xf32>, vector<128x128xf32>, vector<1x128xf32> -> vector<1x128xf32>
      %gt3A_1221 = arith.constant 0.000000e+00 : f32
      %gt3A_1222 = vector.broadcast %gt3A_1221 : f32 to vector<1x128xf32>
      %gt3A_1223 = arith.cmpf ogt, %dot_general3A_1220, %gt3A_1222 : vector<1x128xf32>
      %jit3A_1224 = arith.constant 0.000000e+00 : f32
      %jit3A_1225 = arith.constant 1.000000e+00 : f32
      %broadcast_in_dim3A_1226 = vector.broadcast %jit3A_1224 : f32 to vector<1x128xf32>
      %broadcast_in_dim3A_1227 = vector.broadcast %jit3A_1225 : f32 to vector<1x128xf32>
      %select_n3A_1228 = arith.select %gt3A_1223, %broadcast_in_dim3A_1226, %broadcast_in_dim3A_1227 : vector<1x128xi1>, vector<1x128xf32>
      %mul3A_1229 = arith.mulf %select_n3A_531, %select_n3A_1228 : vector<1x128xf32>
      %ne3A = arith.cmpf one, %mul3A_1229, %while3A_1217 : vector<1x128xf32>
      %reduce_or3A = arith.constant 1.000000e+00 : f32
      %reduce_or3A_1230 = arith.constant 0.000000e+00 : f32
      %reduce_or3A_1231 = vector.broadcast %reduce_or3A : f32 to vector<1x128xf32>
      %reduce_or3A_1232 = vector.broadcast %reduce_or3A_1230 : f32 to vector<1x128xf32>
      %reduce_or3A_1233 = arith.select %ne3A, %reduce_or3A_1231, %reduce_or3A_1232 : vector<1x128xi1>, vector<1x128xf32>
      %reduce_or3A_1234 = vector.shape_cast %reduce_or3A_1233 : vector<1x128xf32> to vector<1x1x128xf32>
      %reduce_or3A_1235 = arith.constant dense<0xFF800000> : vector<1xf32>
      %reduce_or3A_1236 = vector.multi_reduction <maximumf>, %reduce_or3A_1234, %reduce_or3A_1235 [1, 2] : vector<1x1x128xf32> to vector<1xf32>
      %reduce_or3A_1237 = vector.shape_cast %reduce_or3A_1236 : vector<1xf32> to vector<1x1x1xf32>
      %reduce_or3A_1238 = vector.extract %reduce_or3A_1237[0, 0, 0] : f32 from vector<1x1x1xf32>
      %reduce_or3A_1239 = arith.constant 0.000000e+00 : f32
      %reduce_or3A_1240 = arith.cmpf ogt, %reduce_or3A_1238, %reduce_or3A_1239 : f32
      scf.yield %mul3A_1229, %reduce_or3A_1240 : vector<1x128xf32>, i1
    }
    %swap3A_539 = arith.constant 0 : index
    %swap3A_540 = arith.constant 768 : index
    %swap3A_541 = vector.load %arg3[%swap3A_539, %swap3A_540] : memref<1x2048xf32, #tpu.memory_space<vmem>>, vector<1x128xf32>
    tpu.vector_store %arg3[%swap3A_539, %swap3A_540], %while3A_538#0 {strides = array<i32>} : memref<1x2048xf32, #tpu.memory_space<vmem>>, vector<1x128xf32>,
    %get3A_542 = arith.constant 0 : index
    %get3A_543 = arith.constant 896 : index
    %get3A_544 = vector.load %arg0[%get3A_542, %get3A_543] : memref<4x2048xf32, #tpu.memory_space<vmem>>, vector<1x128xf32>
    %get3A_545 = arith.constant 1 : index
    %get3A_546 = arith.constant 896 : index
    %get3A_547 = vector.load %arg0[%get3A_545, %get3A_546] : memref<4x2048xf32, #tpu.memory_space<vmem>>, vector<1x128xf32>
    %get3A_548 = arith.constant 2 : index
    %get3A_549 = arith.constant 896 : index
    %get3A_550 = vector.load %arg0[%get3A_548, %get3A_549] : memref<4x2048xf32, #tpu.memory_space<vmem>>, vector<1x128xf32>
    %get3A_551 = arith.constant 3 : index
    %get3A_552 = arith.constant 896 : index
    %get3A_553 = vector.load %arg0[%get3A_551, %get3A_552] : memref<4x2048xf32, #tpu.memory_space<vmem>>, vector<1x128xf32>
    %sub3A_554 = arith.subf %get3A_550, %get3A_544 : vector<1x128xf32>
    %sub3A_555 = arith.subf %get3A_553, %get3A_547 : vector<1x128xf32>
    %mul3A_556 = arith.mulf %sub3A_554, %sub3A_555 : vector<1x128xf32>
    %max3A_557 = vector.broadcast %get3A_12 : vector<2048x1xf32> to vector<2048x128xf32>
    %max3A_558 = vector.broadcast %get3A_544 : vector<1x128xf32> to vector<2048x128xf32>
    %max3A_559 = arith.maximumf %max3A_557, %max3A_558 : vector<2048x128xf32>
    %max3A_560 = vector.broadcast %get3A_15 : vector<2048x1xf32> to vector<2048x128xf32>
    %max3A_561 = vector.broadcast %get3A_547 : vector<1x128xf32> to vector<2048x128xf32>
    %max3A_562 = arith.maximumf %max3A_560, %max3A_561 : vector<2048x128xf32>
    %min3A_563 = vector.broadcast %get3A_18 : vector<2048x1xf32> to vector<2048x128xf32>
    %min3A_564 = vector.broadcast %get3A_550 : vector<1x128xf32> to vector<2048x128xf32>
    %min3A_565 = arith.minimumf %min3A_563, %min3A_564 : vector<2048x128xf32>
    %min3A_566 = vector.broadcast %get3A_21 : vector<2048x1xf32> to vector<2048x128xf32>
    %min3A_567 = vector.broadcast %get3A_553 : vector<1x128xf32> to vector<2048x128xf32>
    %min3A_568 = arith.minimumf %min3A_566, %min3A_567 : vector<2048x128xf32>
    %sub3A_569 = arith.subf %min3A_565, %max3A_559 : vector<2048x128xf32>
    %max3A_570 = arith.constant 0.000000e+00 : f32
    %max3A_571 = vector.broadcast %max3A_570 : f32 to vector<2048x128xf32>
    %max3A_572 = arith.maximumf %sub3A_569, %max3A_571 : vector<2048x128xf32>
    %sub3A_573 = arith.subf %min3A_568, %max3A_562 : vector<2048x128xf32>
    %max3A_574 = arith.constant 0.000000e+00 : f32
    %max3A_575 = vector.broadcast %max3A_574 : f32 to vector<2048x128xf32>
    %max3A_576 = arith.maximumf %sub3A_573, %max3A_575 : vector<2048x128xf32>
    %mul3A_577 = arith.mulf %max3A_572, %max3A_576 : vector<2048x128xf32>
    %add3A_578 = vector.broadcast %mul3A : vector<2048x1xf32> to vector<2048x128xf32>
    %add3A_579 = vector.broadcast %mul3A_556 : vector<1x128xf32> to vector<2048x128xf32>
    %add3A_580 = arith.addf %add3A_578, %add3A_579 : vector<2048x128xf32>
    %sub3A_581 = arith.subf %add3A_580, %mul3A_577 : vector<2048x128xf32>
    %add3A_582 = arith.constant 9.99999971E-10 : f32
    %add3A_583 = vector.broadcast %add3A_582 : f32 to vector<2048x128xf32>
    %add3A_584 = arith.addf %sub3A_581, %add3A_583 : vector<2048x128xf32>
    %div3A_585 = arith.divf %mul3A_577, %add3A_584 : vector<2048x128xf32>
    %gt3A_586 = arith.constant 0.699999988 : f32
    %gt3A_587 = vector.broadcast %gt3A_586 : f32 to vector<2048x128xf32>
    %gt3A_588 = arith.cmpf ogt, %div3A_585, %gt3A_587 : vector<2048x128xf32>
    %jit3A_589 = arith.constant 1.000000e+00 : f32
    %jit3A_590 = arith.constant 0.000000e+00 : f32
    %broadcast_in_dim3A_591 = vector.broadcast %jit3A_589 : f32 to vector<2048x128xf32>
    %broadcast_in_dim3A_592 = vector.broadcast %jit3A_590 : f32 to vector<2048x128xf32>
    %select_n3A_593 = arith.select %gt3A_588, %broadcast_in_dim3A_591, %broadcast_in_dim3A_592 : vector<2048x128xi1>, vector<2048x128xf32>
    %get3A_594 = arith.constant 0 : index
    %get3A_595 = arith.constant 0 : index
    %get3A_596 = vector.load %arg3[%get3A_594, %get3A_595] : memref<1x2048xf32, #tpu.memory_space<vmem>>, vector<1x2048xf32>
    %dot_general3A_597 = arith.constant dense<0.000000e+00> : vector<1x128xf32>
    %dot_general3A_598 = tpu.matmul %get3A_596, %select_n3A_593, %dot_general3A_597 {dimension_numbers = #tpu.dot_dimension_numbers<[1], [0], [0], [1], [0, 0, 1, 1], [], []>, transpose_lhs_hint = false} : vector<1x2048xf32>, vector<2048x128xf32>, vector<1x128xf32> -> vector<1x128xf32>
    %gt3A_599 = arith.constant 0.000000e+00 : f32
    %gt3A_600 = vector.broadcast %gt3A_599 : f32 to vector<1x128xf32>
    %gt3A_601 = arith.cmpf ogt, %dot_general3A_598, %gt3A_600 : vector<1x128xf32>
    %jit3A_602 = arith.constant 0.000000e+00 : f32
    %jit3A_603 = arith.constant 1.000000e+00 : f32
    %broadcast_in_dim3A_604 = vector.broadcast %jit3A_602 : f32 to vector<1x128xf32>
    %broadcast_in_dim3A_605 = vector.broadcast %jit3A_603 : f32 to vector<1x128xf32>
    %select_n3A_606 = arith.select %gt3A_601, %broadcast_in_dim3A_604, %broadcast_in_dim3A_605 : vector<1x128xi1>, vector<1x128xf32>
    %lt3A_607 = arith.cmpi slt, %iota3A, %iota3A_27 : vector<128x128xi32>
    %slice3A_608 = vector.extract_strided_slice %select_n3A_593 {offsets = [896, 0], sizes = [128, 128], strides = [1, 1]} : vector<2048x128xf32> to vector<128x128xf32>
    %jit3A_609 = arith.constant 0.000000e+00 : f32
    %broadcast_in_dim3A_610 = vector.broadcast %jit3A_609 : f32 to vector<128x128xf32>
    %select_n3A_611 = arith.select %lt3A_607, %slice3A_608, %broadcast_in_dim3A_610 : vector<128x128xi1>, vector<128x128xf32>
    %while3A_612 = arith.constant true
    %while3A_613:2 = scf.while (%while3A_1217 = %select_n3A_606, %while3A_1218 = %while3A_612) : (vector<1x128xf32>, i1) -> (vector<1x128xf32>, i1) {
      scf.condition(%while3A_1218) %while3A_1217, %while3A_1218 : vector<1x128xf32>, i1
    } do {
    ^bb0(%while3A_1217: vector<1x128xf32>, %while3A_1218: i1):
      %dot_general3A_1219 = arith.constant dense<0.000000e+00> : vector<1x128xf32>
      %dot_general3A_1220 = tpu.matmul %while3A_1217, %select_n3A_611, %dot_general3A_1219 {dimension_numbers = #tpu.dot_dimension_numbers<[1], [0], [0], [1], [0, 0, 1, 1], [], []>, transpose_lhs_hint = false} : vector<1x128xf32>, vector<128x128xf32>, vector<1x128xf32> -> vector<1x128xf32>
      %gt3A_1221 = arith.constant 0.000000e+00 : f32
      %gt3A_1222 = vector.broadcast %gt3A_1221 : f32 to vector<1x128xf32>
      %gt3A_1223 = arith.cmpf ogt, %dot_general3A_1220, %gt3A_1222 : vector<1x128xf32>
      %jit3A_1224 = arith.constant 0.000000e+00 : f32
      %jit3A_1225 = arith.constant 1.000000e+00 : f32
      %broadcast_in_dim3A_1226 = vector.broadcast %jit3A_1224 : f32 to vector<1x128xf32>
      %broadcast_in_dim3A_1227 = vector.broadcast %jit3A_1225 : f32 to vector<1x128xf32>
      %select_n3A_1228 = arith.select %gt3A_1223, %broadcast_in_dim3A_1226, %broadcast_in_dim3A_1227 : vector<1x128xi1>, vector<1x128xf32>
      %mul3A_1229 = arith.mulf %select_n3A_606, %select_n3A_1228 : vector<1x128xf32>
      %ne3A = arith.cmpf one, %mul3A_1229, %while3A_1217 : vector<1x128xf32>
      %reduce_or3A = arith.constant 1.000000e+00 : f32
      %reduce_or3A_1230 = arith.constant 0.000000e+00 : f32
      %reduce_or3A_1231 = vector.broadcast %reduce_or3A : f32 to vector<1x128xf32>
      %reduce_or3A_1232 = vector.broadcast %reduce_or3A_1230 : f32 to vector<1x128xf32>
      %reduce_or3A_1233 = arith.select %ne3A, %reduce_or3A_1231, %reduce_or3A_1232 : vector<1x128xi1>, vector<1x128xf32>
      %reduce_or3A_1234 = vector.shape_cast %reduce_or3A_1233 : vector<1x128xf32> to vector<1x1x128xf32>
      %reduce_or3A_1235 = arith.constant dense<0xFF800000> : vector<1xf32>
      %reduce_or3A_1236 = vector.multi_reduction <maximumf>, %reduce_or3A_1234, %reduce_or3A_1235 [1, 2] : vector<1x1x128xf32> to vector<1xf32>
      %reduce_or3A_1237 = vector.shape_cast %reduce_or3A_1236 : vector<1xf32> to vector<1x1x1xf32>
      %reduce_or3A_1238 = vector.extract %reduce_or3A_1237[0, 0, 0] : f32 from vector<1x1x1xf32>
      %reduce_or3A_1239 = arith.constant 0.000000e+00 : f32
      %reduce_or3A_1240 = arith.cmpf ogt, %reduce_or3A_1238, %reduce_or3A_1239 : f32
      scf.yield %mul3A_1229, %reduce_or3A_1240 : vector<1x128xf32>, i1
    }
    %swap3A_614 = arith.constant 0 : index
    %swap3A_615 = arith.constant 896 : index
    %swap3A_616 = vector.load %arg3[%swap3A_614, %swap3A_615] : memref<1x2048xf32, #tpu.memory_space<vmem>>, vector<1x128xf32>
    tpu.vector_store %arg3[%swap3A_614, %swap3A_615], %while3A_613#0 {strides = array<i32>} : memref<1x2048xf32, #tpu.memory_space<vmem>>, vector<1x128xf32>,
    %get3A_617 = arith.constant 0 : index
    %get3A_618 = arith.constant 1024 : index
    %get3A_619 = vector.load %arg0[%get3A_617, %get3A_618] : memref<4x2048xf32, #tpu.memory_space<vmem>>, vector<1x128xf32>
    %get3A_620 = arith.constant 1 : index
    %get3A_621 = arith.constant 1024 : index
    %get3A_622 = vector.load %arg0[%get3A_620, %get3A_621] : memref<4x2048xf32, #tpu.memory_space<vmem>>, vector<1x128xf32>
    %get3A_623 = arith.constant 2 : index
    %get3A_624 = arith.constant 1024 : index
    %get3A_625 = vector.load %arg0[%get3A_623, %get3A_624] : memref<4x2048xf32, #tpu.memory_space<vmem>>, vector<1x128xf32>
    %get3A_626 = arith.constant 3 : index
    %get3A_627 = arith.constant 1024 : index
    %get3A_628 = vector.load %arg0[%get3A_626, %get3A_627] : memref<4x2048xf32, #tpu.memory_space<vmem>>, vector<1x128xf32>
    %sub3A_629 = arith.subf %get3A_625, %get3A_619 : vector<1x128xf32>
    %sub3A_630 = arith.subf %get3A_628, %get3A_622 : vector<1x128xf32>
    %mul3A_631 = arith.mulf %sub3A_629, %sub3A_630 : vector<1x128xf32>
    %max3A_632 = vector.broadcast %get3A_12 : vector<2048x1xf32> to vector<2048x128xf32>
    %max3A_633 = vector.broadcast %get3A_619 : vector<1x128xf32> to vector<2048x128xf32>
    %max3A_634 = arith.maximumf %max3A_632, %max3A_633 : vector<2048x128xf32>
    %max3A_635 = vector.broadcast %get3A_15 : vector<2048x1xf32> to vector<2048x128xf32>
    %max3A_636 = vector.broadcast %get3A_622 : vector<1x128xf32> to vector<2048x128xf32>
    %max3A_637 = arith.maximumf %max3A_635, %max3A_636 : vector<2048x128xf32>
    %min3A_638 = vector.broadcast %get3A_18 : vector<2048x1xf32> to vector<2048x128xf32>
    %min3A_639 = vector.broadcast %get3A_625 : vector<1x128xf32> to vector<2048x128xf32>
    %min3A_640 = arith.minimumf %min3A_638, %min3A_639 : vector<2048x128xf32>
    %min3A_641 = vector.broadcast %get3A_21 : vector<2048x1xf32> to vector<2048x128xf32>
    %min3A_642 = vector.broadcast %get3A_628 : vector<1x128xf32> to vector<2048x128xf32>
    %min3A_643 = arith.minimumf %min3A_641, %min3A_642 : vector<2048x128xf32>
    %sub3A_644 = arith.subf %min3A_640, %max3A_634 : vector<2048x128xf32>
    %max3A_645 = arith.constant 0.000000e+00 : f32
    %max3A_646 = vector.broadcast %max3A_645 : f32 to vector<2048x128xf32>
    %max3A_647 = arith.maximumf %sub3A_644, %max3A_646 : vector<2048x128xf32>
    %sub3A_648 = arith.subf %min3A_643, %max3A_637 : vector<2048x128xf32>
    %max3A_649 = arith.constant 0.000000e+00 : f32
    %max3A_650 = vector.broadcast %max3A_649 : f32 to vector<2048x128xf32>
    %max3A_651 = arith.maximumf %sub3A_648, %max3A_650 : vector<2048x128xf32>
    %mul3A_652 = arith.mulf %max3A_647, %max3A_651 : vector<2048x128xf32>
    %add3A_653 = vector.broadcast %mul3A : vector<2048x1xf32> to vector<2048x128xf32>
    %add3A_654 = vector.broadcast %mul3A_631 : vector<1x128xf32> to vector<2048x128xf32>
    %add3A_655 = arith.addf %add3A_653, %add3A_654 : vector<2048x128xf32>
    %sub3A_656 = arith.subf %add3A_655, %mul3A_652 : vector<2048x128xf32>
    %add3A_657 = arith.constant 9.99999971E-10 : f32
    %add3A_658 = vector.broadcast %add3A_657 : f32 to vector<2048x128xf32>
    %add3A_659 = arith.addf %sub3A_656, %add3A_658 : vector<2048x128xf32>
    %div3A_660 = arith.divf %mul3A_652, %add3A_659 : vector<2048x128xf32>
    %gt3A_661 = arith.constant 0.699999988 : f32
    %gt3A_662 = vector.broadcast %gt3A_661 : f32 to vector<2048x128xf32>
    %gt3A_663 = arith.cmpf ogt, %div3A_660, %gt3A_662 : vector<2048x128xf32>
    %jit3A_664 = arith.constant 1.000000e+00 : f32
    %jit3A_665 = arith.constant 0.000000e+00 : f32
    %broadcast_in_dim3A_666 = vector.broadcast %jit3A_664 : f32 to vector<2048x128xf32>
    %broadcast_in_dim3A_667 = vector.broadcast %jit3A_665 : f32 to vector<2048x128xf32>
    %select_n3A_668 = arith.select %gt3A_663, %broadcast_in_dim3A_666, %broadcast_in_dim3A_667 : vector<2048x128xi1>, vector<2048x128xf32>
    %get3A_669 = arith.constant 0 : index
    %get3A_670 = arith.constant 0 : index
    %get3A_671 = vector.load %arg3[%get3A_669, %get3A_670] : memref<1x2048xf32, #tpu.memory_space<vmem>>, vector<1x2048xf32>
    %dot_general3A_672 = arith.constant dense<0.000000e+00> : vector<1x128xf32>
    %dot_general3A_673 = tpu.matmul %get3A_671, %select_n3A_668, %dot_general3A_672 {dimension_numbers = #tpu.dot_dimension_numbers<[1], [0], [0], [1], [0, 0, 1, 1], [], []>, transpose_lhs_hint = false} : vector<1x2048xf32>, vector<2048x128xf32>, vector<1x128xf32> -> vector<1x128xf32>
    %gt3A_674 = arith.constant 0.000000e+00 : f32
    %gt3A_675 = vector.broadcast %gt3A_674 : f32 to vector<1x128xf32>
    %gt3A_676 = arith.cmpf ogt, %dot_general3A_673, %gt3A_675 : vector<1x128xf32>
    %jit3A_677 = arith.constant 0.000000e+00 : f32
    %jit3A_678 = arith.constant 1.000000e+00 : f32
    %broadcast_in_dim3A_679 = vector.broadcast %jit3A_677 : f32 to vector<1x128xf32>
    %broadcast_in_dim3A_680 = vector.broadcast %jit3A_678 : f32 to vector<1x128xf32>
    %select_n3A_681 = arith.select %gt3A_676, %broadcast_in_dim3A_679, %broadcast_in_dim3A_680 : vector<1x128xi1>, vector<1x128xf32>
    %lt3A_682 = arith.cmpi slt, %iota3A, %iota3A_27 : vector<128x128xi32>
    %slice3A_683 = vector.extract_strided_slice %select_n3A_668 {offsets = [1024, 0], sizes = [128, 128], strides = [1, 1]} : vector<2048x128xf32> to vector<128x128xf32>
    %jit3A_684 = arith.constant 0.000000e+00 : f32
    %broadcast_in_dim3A_685 = vector.broadcast %jit3A_684 : f32 to vector<128x128xf32>
    %select_n3A_686 = arith.select %lt3A_682, %slice3A_683, %broadcast_in_dim3A_685 : vector<128x128xi1>, vector<128x128xf32>
    %while3A_687 = arith.constant true
    %while3A_688:2 = scf.while (%while3A_1217 = %select_n3A_681, %while3A_1218 = %while3A_687) : (vector<1x128xf32>, i1) -> (vector<1x128xf32>, i1) {
      scf.condition(%while3A_1218) %while3A_1217, %while3A_1218 : vector<1x128xf32>, i1
    } do {
    ^bb0(%while3A_1217: vector<1x128xf32>, %while3A_1218: i1):
      %dot_general3A_1219 = arith.constant dense<0.000000e+00> : vector<1x128xf32>
      %dot_general3A_1220 = tpu.matmul %while3A_1217, %select_n3A_686, %dot_general3A_1219 {dimension_numbers = #tpu.dot_dimension_numbers<[1], [0], [0], [1], [0, 0, 1, 1], [], []>, transpose_lhs_hint = false} : vector<1x128xf32>, vector<128x128xf32>, vector<1x128xf32> -> vector<1x128xf32>
      %gt3A_1221 = arith.constant 0.000000e+00 : f32
      %gt3A_1222 = vector.broadcast %gt3A_1221 : f32 to vector<1x128xf32>
      %gt3A_1223 = arith.cmpf ogt, %dot_general3A_1220, %gt3A_1222 : vector<1x128xf32>
      %jit3A_1224 = arith.constant 0.000000e+00 : f32
      %jit3A_1225 = arith.constant 1.000000e+00 : f32
      %broadcast_in_dim3A_1226 = vector.broadcast %jit3A_1224 : f32 to vector<1x128xf32>
      %broadcast_in_dim3A_1227 = vector.broadcast %jit3A_1225 : f32 to vector<1x128xf32>
      %select_n3A_1228 = arith.select %gt3A_1223, %broadcast_in_dim3A_1226, %broadcast_in_dim3A_1227 : vector<1x128xi1>, vector<1x128xf32>
      %mul3A_1229 = arith.mulf %select_n3A_681, %select_n3A_1228 : vector<1x128xf32>
      %ne3A = arith.cmpf one, %mul3A_1229, %while3A_1217 : vector<1x128xf32>
      %reduce_or3A = arith.constant 1.000000e+00 : f32
      %reduce_or3A_1230 = arith.constant 0.000000e+00 : f32
      %reduce_or3A_1231 = vector.broadcast %reduce_or3A : f32 to vector<1x128xf32>
      %reduce_or3A_1232 = vector.broadcast %reduce_or3A_1230 : f32 to vector<1x128xf32>
      %reduce_or3A_1233 = arith.select %ne3A, %reduce_or3A_1231, %reduce_or3A_1232 : vector<1x128xi1>, vector<1x128xf32>
      %reduce_or3A_1234 = vector.shape_cast %reduce_or3A_1233 : vector<1x128xf32> to vector<1x1x128xf32>
      %reduce_or3A_1235 = arith.constant dense<0xFF800000> : vector<1xf32>
      %reduce_or3A_1236 = vector.multi_reduction <maximumf>, %reduce_or3A_1234, %reduce_or3A_1235 [1, 2] : vector<1x1x128xf32> to vector<1xf32>
      %reduce_or3A_1237 = vector.shape_cast %reduce_or3A_1236 : vector<1xf32> to vector<1x1x1xf32>
      %reduce_or3A_1238 = vector.extract %reduce_or3A_1237[0, 0, 0] : f32 from vector<1x1x1xf32>
      %reduce_or3A_1239 = arith.constant 0.000000e+00 : f32
      %reduce_or3A_1240 = arith.cmpf ogt, %reduce_or3A_1238, %reduce_or3A_1239 : f32
      scf.yield %mul3A_1229, %reduce_or3A_1240 : vector<1x128xf32>, i1
    }
    %swap3A_689 = arith.constant 0 : index
    %swap3A_690 = arith.constant 1024 : index
    %swap3A_691 = vector.load %arg3[%swap3A_689, %swap3A_690] : memref<1x2048xf32, #tpu.memory_space<vmem>>, vector<1x128xf32>
    tpu.vector_store %arg3[%swap3A_689, %swap3A_690], %while3A_688#0 {strides = array<i32>} : memref<1x2048xf32, #tpu.memory_space<vmem>>, vector<1x128xf32>,
    %get3A_692 = arith.constant 0 : index
    %get3A_693 = arith.constant 1152 : index
    %get3A_694 = vector.load %arg0[%get3A_692, %get3A_693] : memref<4x2048xf32, #tpu.memory_space<vmem>>, vector<1x128xf32>
    %get3A_695 = arith.constant 1 : index
    %get3A_696 = arith.constant 1152 : index
    %get3A_697 = vector.load %arg0[%get3A_695, %get3A_696] : memref<4x2048xf32, #tpu.memory_space<vmem>>, vector<1x128xf32>
    %get3A_698 = arith.constant 2 : index
    %get3A_699 = arith.constant 1152 : index
    %get3A_700 = vector.load %arg0[%get3A_698, %get3A_699] : memref<4x2048xf32, #tpu.memory_space<vmem>>, vector<1x128xf32>
    %get3A_701 = arith.constant 3 : index
    %get3A_702 = arith.constant 1152 : index
    %get3A_703 = vector.load %arg0[%get3A_701, %get3A_702] : memref<4x2048xf32, #tpu.memory_space<vmem>>, vector<1x128xf32>
    %sub3A_704 = arith.subf %get3A_700, %get3A_694 : vector<1x128xf32>
    %sub3A_705 = arith.subf %get3A_703, %get3A_697 : vector<1x128xf32>
    %mul3A_706 = arith.mulf %sub3A_704, %sub3A_705 : vector<1x128xf32>
    %max3A_707 = vector.broadcast %get3A_12 : vector<2048x1xf32> to vector<2048x128xf32>
    %max3A_708 = vector.broadcast %get3A_694 : vector<1x128xf32> to vector<2048x128xf32>
    %max3A_709 = arith.maximumf %max3A_707, %max3A_708 : vector<2048x128xf32>
    %max3A_710 = vector.broadcast %get3A_15 : vector<2048x1xf32> to vector<2048x128xf32>
    %max3A_711 = vector.broadcast %get3A_697 : vector<1x128xf32> to vector<2048x128xf32>
    %max3A_712 = arith.maximumf %max3A_710, %max3A_711 : vector<2048x128xf32>
    %min3A_713 = vector.broadcast %get3A_18 : vector<2048x1xf32> to vector<2048x128xf32>
    %min3A_714 = vector.broadcast %get3A_700 : vector<1x128xf32> to vector<2048x128xf32>
    %min3A_715 = arith.minimumf %min3A_713, %min3A_714 : vector<2048x128xf32>
    %min3A_716 = vector.broadcast %get3A_21 : vector<2048x1xf32> to vector<2048x128xf32>
    %min3A_717 = vector.broadcast %get3A_703 : vector<1x128xf32> to vector<2048x128xf32>
    %min3A_718 = arith.minimumf %min3A_716, %min3A_717 : vector<2048x128xf32>
    %sub3A_719 = arith.subf %min3A_715, %max3A_709 : vector<2048x128xf32>
    %max3A_720 = arith.constant 0.000000e+00 : f32
    %max3A_721 = vector.broadcast %max3A_720 : f32 to vector<2048x128xf32>
    %max3A_722 = arith.maximumf %sub3A_719, %max3A_721 : vector<2048x128xf32>
    %sub3A_723 = arith.subf %min3A_718, %max3A_712 : vector<2048x128xf32>
    %max3A_724 = arith.constant 0.000000e+00 : f32
    %max3A_725 = vector.broadcast %max3A_724 : f32 to vector<2048x128xf32>
    %max3A_726 = arith.maximumf %sub3A_723, %max3A_725 : vector<2048x128xf32>
    %mul3A_727 = arith.mulf %max3A_722, %max3A_726 : vector<2048x128xf32>
    %add3A_728 = vector.broadcast %mul3A : vector<2048x1xf32> to vector<2048x128xf32>
    %add3A_729 = vector.broadcast %mul3A_706 : vector<1x128xf32> to vector<2048x128xf32>
    %add3A_730 = arith.addf %add3A_728, %add3A_729 : vector<2048x128xf32>
    %sub3A_731 = arith.subf %add3A_730, %mul3A_727 : vector<2048x128xf32>
    %add3A_732 = arith.constant 9.99999971E-10 : f32
    %add3A_733 = vector.broadcast %add3A_732 : f32 to vector<2048x128xf32>
    %add3A_734 = arith.addf %sub3A_731, %add3A_733 : vector<2048x128xf32>
    %div3A_735 = arith.divf %mul3A_727, %add3A_734 : vector<2048x128xf32>
    %gt3A_736 = arith.constant 0.699999988 : f32
    %gt3A_737 = vector.broadcast %gt3A_736 : f32 to vector<2048x128xf32>
    %gt3A_738 = arith.cmpf ogt, %div3A_735, %gt3A_737 : vector<2048x128xf32>
    %jit3A_739 = arith.constant 1.000000e+00 : f32
    %jit3A_740 = arith.constant 0.000000e+00 : f32
    %broadcast_in_dim3A_741 = vector.broadcast %jit3A_739 : f32 to vector<2048x128xf32>
    %broadcast_in_dim3A_742 = vector.broadcast %jit3A_740 : f32 to vector<2048x128xf32>
    %select_n3A_743 = arith.select %gt3A_738, %broadcast_in_dim3A_741, %broadcast_in_dim3A_742 : vector<2048x128xi1>, vector<2048x128xf32>
    %get3A_744 = arith.constant 0 : index
    %get3A_745 = arith.constant 0 : index
    %get3A_746 = vector.load %arg3[%get3A_744, %get3A_745] : memref<1x2048xf32, #tpu.memory_space<vmem>>, vector<1x2048xf32>
    %dot_general3A_747 = arith.constant dense<0.000000e+00> : vector<1x128xf32>
    %dot_general3A_748 = tpu.matmul %get3A_746, %select_n3A_743, %dot_general3A_747 {dimension_numbers = #tpu.dot_dimension_numbers<[1], [0], [0], [1], [0, 0, 1, 1], [], []>, transpose_lhs_hint = false} : vector<1x2048xf32>, vector<2048x128xf32>, vector<1x128xf32> -> vector<1x128xf32>
    %gt3A_749 = arith.constant 0.000000e+00 : f32
    %gt3A_750 = vector.broadcast %gt3A_749 : f32 to vector<1x128xf32>
    %gt3A_751 = arith.cmpf ogt, %dot_general3A_748, %gt3A_750 : vector<1x128xf32>
    %jit3A_752 = arith.constant 0.000000e+00 : f32
    %jit3A_753 = arith.constant 1.000000e+00 : f32
    %broadcast_in_dim3A_754 = vector.broadcast %jit3A_752 : f32 to vector<1x128xf32>
    %broadcast_in_dim3A_755 = vector.broadcast %jit3A_753 : f32 to vector<1x128xf32>
    %select_n3A_756 = arith.select %gt3A_751, %broadcast_in_dim3A_754, %broadcast_in_dim3A_755 : vector<1x128xi1>, vector<1x128xf32>
    %lt3A_757 = arith.cmpi slt, %iota3A, %iota3A_27 : vector<128x128xi32>
    %slice3A_758 = vector.extract_strided_slice %select_n3A_743 {offsets = [1152, 0], sizes = [128, 128], strides = [1, 1]} : vector<2048x128xf32> to vector<128x128xf32>
    %jit3A_759 = arith.constant 0.000000e+00 : f32
    %broadcast_in_dim3A_760 = vector.broadcast %jit3A_759 : f32 to vector<128x128xf32>
    %select_n3A_761 = arith.select %lt3A_757, %slice3A_758, %broadcast_in_dim3A_760 : vector<128x128xi1>, vector<128x128xf32>
    %while3A_762 = arith.constant true
    %while3A_763:2 = scf.while (%while3A_1217 = %select_n3A_756, %while3A_1218 = %while3A_762) : (vector<1x128xf32>, i1) -> (vector<1x128xf32>, i1) {
      scf.condition(%while3A_1218) %while3A_1217, %while3A_1218 : vector<1x128xf32>, i1
    } do {
    ^bb0(%while3A_1217: vector<1x128xf32>, %while3A_1218: i1):
      %dot_general3A_1219 = arith.constant dense<0.000000e+00> : vector<1x128xf32>
      %dot_general3A_1220 = tpu.matmul %while3A_1217, %select_n3A_761, %dot_general3A_1219 {dimension_numbers = #tpu.dot_dimension_numbers<[1], [0], [0], [1], [0, 0, 1, 1], [], []>, transpose_lhs_hint = false} : vector<1x128xf32>, vector<128x128xf32>, vector<1x128xf32> -> vector<1x128xf32>
      %gt3A_1221 = arith.constant 0.000000e+00 : f32
      %gt3A_1222 = vector.broadcast %gt3A_1221 : f32 to vector<1x128xf32>
      %gt3A_1223 = arith.cmpf ogt, %dot_general3A_1220, %gt3A_1222 : vector<1x128xf32>
      %jit3A_1224 = arith.constant 0.000000e+00 : f32
      %jit3A_1225 = arith.constant 1.000000e+00 : f32
      %broadcast_in_dim3A_1226 = vector.broadcast %jit3A_1224 : f32 to vector<1x128xf32>
      %broadcast_in_dim3A_1227 = vector.broadcast %jit3A_1225 : f32 to vector<1x128xf32>
      %select_n3A_1228 = arith.select %gt3A_1223, %broadcast_in_dim3A_1226, %broadcast_in_dim3A_1227 : vector<1x128xi1>, vector<1x128xf32>
      %mul3A_1229 = arith.mulf %select_n3A_756, %select_n3A_1228 : vector<1x128xf32>
      %ne3A = arith.cmpf one, %mul3A_1229, %while3A_1217 : vector<1x128xf32>
      %reduce_or3A = arith.constant 1.000000e+00 : f32
      %reduce_or3A_1230 = arith.constant 0.000000e+00 : f32
      %reduce_or3A_1231 = vector.broadcast %reduce_or3A : f32 to vector<1x128xf32>
      %reduce_or3A_1232 = vector.broadcast %reduce_or3A_1230 : f32 to vector<1x128xf32>
      %reduce_or3A_1233 = arith.select %ne3A, %reduce_or3A_1231, %reduce_or3A_1232 : vector<1x128xi1>, vector<1x128xf32>
      %reduce_or3A_1234 = vector.shape_cast %reduce_or3A_1233 : vector<1x128xf32> to vector<1x1x128xf32>
      %reduce_or3A_1235 = arith.constant dense<0xFF800000> : vector<1xf32>
      %reduce_or3A_1236 = vector.multi_reduction <maximumf>, %reduce_or3A_1234, %reduce_or3A_1235 [1, 2] : vector<1x1x128xf32> to vector<1xf32>
      %reduce_or3A_1237 = vector.shape_cast %reduce_or3A_1236 : vector<1xf32> to vector<1x1x1xf32>
      %reduce_or3A_1238 = vector.extract %reduce_or3A_1237[0, 0, 0] : f32 from vector<1x1x1xf32>
      %reduce_or3A_1239 = arith.constant 0.000000e+00 : f32
      %reduce_or3A_1240 = arith.cmpf ogt, %reduce_or3A_1238, %reduce_or3A_1239 : f32
      scf.yield %mul3A_1229, %reduce_or3A_1240 : vector<1x128xf32>, i1
    }
    %swap3A_764 = arith.constant 0 : index
    %swap3A_765 = arith.constant 1152 : index
    %swap3A_766 = vector.load %arg3[%swap3A_764, %swap3A_765] : memref<1x2048xf32, #tpu.memory_space<vmem>>, vector<1x128xf32>
    tpu.vector_store %arg3[%swap3A_764, %swap3A_765], %while3A_763#0 {strides = array<i32>} : memref<1x2048xf32, #tpu.memory_space<vmem>>, vector<1x128xf32>,
    %get3A_767 = arith.constant 0 : index
    %get3A_768 = arith.constant 1280 : index
    %get3A_769 = vector.load %arg0[%get3A_767, %get3A_768] : memref<4x2048xf32, #tpu.memory_space<vmem>>, vector<1x128xf32>
    %get3A_770 = arith.constant 1 : index
    %get3A_771 = arith.constant 1280 : index
    %get3A_772 = vector.load %arg0[%get3A_770, %get3A_771] : memref<4x2048xf32, #tpu.memory_space<vmem>>, vector<1x128xf32>
    %get3A_773 = arith.constant 2 : index
    %get3A_774 = arith.constant 1280 : index
    %get3A_775 = vector.load %arg0[%get3A_773, %get3A_774] : memref<4x2048xf32, #tpu.memory_space<vmem>>, vector<1x128xf32>
    %get3A_776 = arith.constant 3 : index
    %get3A_777 = arith.constant 1280 : index
    %get3A_778 = vector.load %arg0[%get3A_776, %get3A_777] : memref<4x2048xf32, #tpu.memory_space<vmem>>, vector<1x128xf32>
    %sub3A_779 = arith.subf %get3A_775, %get3A_769 : vector<1x128xf32>
    %sub3A_780 = arith.subf %get3A_778, %get3A_772 : vector<1x128xf32>
    %mul3A_781 = arith.mulf %sub3A_779, %sub3A_780 : vector<1x128xf32>
    %max3A_782 = vector.broadcast %get3A_12 : vector<2048x1xf32> to vector<2048x128xf32>
    %max3A_783 = vector.broadcast %get3A_769 : vector<1x128xf32> to vector<2048x128xf32>
    %max3A_784 = arith.maximumf %max3A_782, %max3A_783 : vector<2048x128xf32>
    %max3A_785 = vector.broadcast %get3A_15 : vector<2048x1xf32> to vector<2048x128xf32>
    %max3A_786 = vector.broadcast %get3A_772 : vector<1x128xf32> to vector<2048x128xf32>
    %max3A_787 = arith.maximumf %max3A_785, %max3A_786 : vector<2048x128xf32>
    %min3A_788 = vector.broadcast %get3A_18 : vector<2048x1xf32> to vector<2048x128xf32>
    %min3A_789 = vector.broadcast %get3A_775 : vector<1x128xf32> to vector<2048x128xf32>
    %min3A_790 = arith.minimumf %min3A_788, %min3A_789 : vector<2048x128xf32>
    %min3A_791 = vector.broadcast %get3A_21 : vector<2048x1xf32> to vector<2048x128xf32>
    %min3A_792 = vector.broadcast %get3A_778 : vector<1x128xf32> to vector<2048x128xf32>
    %min3A_793 = arith.minimumf %min3A_791, %min3A_792 : vector<2048x128xf32>
    %sub3A_794 = arith.subf %min3A_790, %max3A_784 : vector<2048x128xf32>
    %max3A_795 = arith.constant 0.000000e+00 : f32
    %max3A_796 = vector.broadcast %max3A_795 : f32 to vector<2048x128xf32>
    %max3A_797 = arith.maximumf %sub3A_794, %max3A_796 : vector<2048x128xf32>
    %sub3A_798 = arith.subf %min3A_793, %max3A_787 : vector<2048x128xf32>
    %max3A_799 = arith.constant 0.000000e+00 : f32
    %max3A_800 = vector.broadcast %max3A_799 : f32 to vector<2048x128xf32>
    %max3A_801 = arith.maximumf %sub3A_798, %max3A_800 : vector<2048x128xf32>
    %mul3A_802 = arith.mulf %max3A_797, %max3A_801 : vector<2048x128xf32>
    %add3A_803 = vector.broadcast %mul3A : vector<2048x1xf32> to vector<2048x128xf32>
    %add3A_804 = vector.broadcast %mul3A_781 : vector<1x128xf32> to vector<2048x128xf32>
    %add3A_805 = arith.addf %add3A_803, %add3A_804 : vector<2048x128xf32>
    %sub3A_806 = arith.subf %add3A_805, %mul3A_802 : vector<2048x128xf32>
    %add3A_807 = arith.constant 9.99999971E-10 : f32
    %add3A_808 = vector.broadcast %add3A_807 : f32 to vector<2048x128xf32>
    %add3A_809 = arith.addf %sub3A_806, %add3A_808 : vector<2048x128xf32>
    %div3A_810 = arith.divf %mul3A_802, %add3A_809 : vector<2048x128xf32>
    %gt3A_811 = arith.constant 0.699999988 : f32
    %gt3A_812 = vector.broadcast %gt3A_811 : f32 to vector<2048x128xf32>
    %gt3A_813 = arith.cmpf ogt, %div3A_810, %gt3A_812 : vector<2048x128xf32>
    %jit3A_814 = arith.constant 1.000000e+00 : f32
    %jit3A_815 = arith.constant 0.000000e+00 : f32
    %broadcast_in_dim3A_816 = vector.broadcast %jit3A_814 : f32 to vector<2048x128xf32>
    %broadcast_in_dim3A_817 = vector.broadcast %jit3A_815 : f32 to vector<2048x128xf32>
    %select_n3A_818 = arith.select %gt3A_813, %broadcast_in_dim3A_816, %broadcast_in_dim3A_817 : vector<2048x128xi1>, vector<2048x128xf32>
    %get3A_819 = arith.constant 0 : index
    %get3A_820 = arith.constant 0 : index
    %get3A_821 = vector.load %arg3[%get3A_819, %get3A_820] : memref<1x2048xf32, #tpu.memory_space<vmem>>, vector<1x2048xf32>
    %dot_general3A_822 = arith.constant dense<0.000000e+00> : vector<1x128xf32>
    %dot_general3A_823 = tpu.matmul %get3A_821, %select_n3A_818, %dot_general3A_822 {dimension_numbers = #tpu.dot_dimension_numbers<[1], [0], [0], [1], [0, 0, 1, 1], [], []>, transpose_lhs_hint = false} : vector<1x2048xf32>, vector<2048x128xf32>, vector<1x128xf32> -> vector<1x128xf32>
    %gt3A_824 = arith.constant 0.000000e+00 : f32
    %gt3A_825 = vector.broadcast %gt3A_824 : f32 to vector<1x128xf32>
    %gt3A_826 = arith.cmpf ogt, %dot_general3A_823, %gt3A_825 : vector<1x128xf32>
    %jit3A_827 = arith.constant 0.000000e+00 : f32
    %jit3A_828 = arith.constant 1.000000e+00 : f32
    %broadcast_in_dim3A_829 = vector.broadcast %jit3A_827 : f32 to vector<1x128xf32>
    %broadcast_in_dim3A_830 = vector.broadcast %jit3A_828 : f32 to vector<1x128xf32>
    %select_n3A_831 = arith.select %gt3A_826, %broadcast_in_dim3A_829, %broadcast_in_dim3A_830 : vector<1x128xi1>, vector<1x128xf32>
    %lt3A_832 = arith.cmpi slt, %iota3A, %iota3A_27 : vector<128x128xi32>
    %slice3A_833 = vector.extract_strided_slice %select_n3A_818 {offsets = [1280, 0], sizes = [128, 128], strides = [1, 1]} : vector<2048x128xf32> to vector<128x128xf32>
    %jit3A_834 = arith.constant 0.000000e+00 : f32
    %broadcast_in_dim3A_835 = vector.broadcast %jit3A_834 : f32 to vector<128x128xf32>
    %select_n3A_836 = arith.select %lt3A_832, %slice3A_833, %broadcast_in_dim3A_835 : vector<128x128xi1>, vector<128x128xf32>
    %while3A_837 = arith.constant true
    %while3A_838:2 = scf.while (%while3A_1217 = %select_n3A_831, %while3A_1218 = %while3A_837) : (vector<1x128xf32>, i1) -> (vector<1x128xf32>, i1) {
      scf.condition(%while3A_1218) %while3A_1217, %while3A_1218 : vector<1x128xf32>, i1
    } do {
    ^bb0(%while3A_1217: vector<1x128xf32>, %while3A_1218: i1):
      %dot_general3A_1219 = arith.constant dense<0.000000e+00> : vector<1x128xf32>
      %dot_general3A_1220 = tpu.matmul %while3A_1217, %select_n3A_836, %dot_general3A_1219 {dimension_numbers = #tpu.dot_dimension_numbers<[1], [0], [0], [1], [0, 0, 1, 1], [], []>, transpose_lhs_hint = false} : vector<1x128xf32>, vector<128x128xf32>, vector<1x128xf32> -> vector<1x128xf32>
      %gt3A_1221 = arith.constant 0.000000e+00 : f32
      %gt3A_1222 = vector.broadcast %gt3A_1221 : f32 to vector<1x128xf32>
      %gt3A_1223 = arith.cmpf ogt, %dot_general3A_1220, %gt3A_1222 : vector<1x128xf32>
      %jit3A_1224 = arith.constant 0.000000e+00 : f32
      %jit3A_1225 = arith.constant 1.000000e+00 : f32
      %broadcast_in_dim3A_1226 = vector.broadcast %jit3A_1224 : f32 to vector<1x128xf32>
      %broadcast_in_dim3A_1227 = vector.broadcast %jit3A_1225 : f32 to vector<1x128xf32>
      %select_n3A_1228 = arith.select %gt3A_1223, %broadcast_in_dim3A_1226, %broadcast_in_dim3A_1227 : vector<1x128xi1>, vector<1x128xf32>
      %mul3A_1229 = arith.mulf %select_n3A_831, %select_n3A_1228 : vector<1x128xf32>
      %ne3A = arith.cmpf one, %mul3A_1229, %while3A_1217 : vector<1x128xf32>
      %reduce_or3A = arith.constant 1.000000e+00 : f32
      %reduce_or3A_1230 = arith.constant 0.000000e+00 : f32
      %reduce_or3A_1231 = vector.broadcast %reduce_or3A : f32 to vector<1x128xf32>
      %reduce_or3A_1232 = vector.broadcast %reduce_or3A_1230 : f32 to vector<1x128xf32>
      %reduce_or3A_1233 = arith.select %ne3A, %reduce_or3A_1231, %reduce_or3A_1232 : vector<1x128xi1>, vector<1x128xf32>
      %reduce_or3A_1234 = vector.shape_cast %reduce_or3A_1233 : vector<1x128xf32> to vector<1x1x128xf32>
      %reduce_or3A_1235 = arith.constant dense<0xFF800000> : vector<1xf32>
      %reduce_or3A_1236 = vector.multi_reduction <maximumf>, %reduce_or3A_1234, %reduce_or3A_1235 [1, 2] : vector<1x1x128xf32> to vector<1xf32>
      %reduce_or3A_1237 = vector.shape_cast %reduce_or3A_1236 : vector<1xf32> to vector<1x1x1xf32>
      %reduce_or3A_1238 = vector.extract %reduce_or3A_1237[0, 0, 0] : f32 from vector<1x1x1xf32>
      %reduce_or3A_1239 = arith.constant 0.000000e+00 : f32
      %reduce_or3A_1240 = arith.cmpf ogt, %reduce_or3A_1238, %reduce_or3A_1239 : f32
      scf.yield %mul3A_1229, %reduce_or3A_1240 : vector<1x128xf32>, i1
    }
    %swap3A_839 = arith.constant 0 : index
    %swap3A_840 = arith.constant 1280 : index
    %swap3A_841 = vector.load %arg3[%swap3A_839, %swap3A_840] : memref<1x2048xf32, #tpu.memory_space<vmem>>, vector<1x128xf32>
    tpu.vector_store %arg3[%swap3A_839, %swap3A_840], %while3A_838#0 {strides = array<i32>} : memref<1x2048xf32, #tpu.memory_space<vmem>>, vector<1x128xf32>,
    %get3A_842 = arith.constant 0 : index
    %get3A_843 = arith.constant 1408 : index
    %get3A_844 = vector.load %arg0[%get3A_842, %get3A_843] : memref<4x2048xf32, #tpu.memory_space<vmem>>, vector<1x128xf32>
    %get3A_845 = arith.constant 1 : index
    %get3A_846 = arith.constant 1408 : index
    %get3A_847 = vector.load %arg0[%get3A_845, %get3A_846] : memref<4x2048xf32, #tpu.memory_space<vmem>>, vector<1x128xf32>
    %get3A_848 = arith.constant 2 : index
    %get3A_849 = arith.constant 1408 : index
    %get3A_850 = vector.load %arg0[%get3A_848, %get3A_849] : memref<4x2048xf32, #tpu.memory_space<vmem>>, vector<1x128xf32>
    %get3A_851 = arith.constant 3 : index
    %get3A_852 = arith.constant 1408 : index
    %get3A_853 = vector.load %arg0[%get3A_851, %get3A_852] : memref<4x2048xf32, #tpu.memory_space<vmem>>, vector<1x128xf32>
    %sub3A_854 = arith.subf %get3A_850, %get3A_844 : vector<1x128xf32>
    %sub3A_855 = arith.subf %get3A_853, %get3A_847 : vector<1x128xf32>
    %mul3A_856 = arith.mulf %sub3A_854, %sub3A_855 : vector<1x128xf32>
    %max3A_857 = vector.broadcast %get3A_12 : vector<2048x1xf32> to vector<2048x128xf32>
    %max3A_858 = vector.broadcast %get3A_844 : vector<1x128xf32> to vector<2048x128xf32>
    %max3A_859 = arith.maximumf %max3A_857, %max3A_858 : vector<2048x128xf32>
    %max3A_860 = vector.broadcast %get3A_15 : vector<2048x1xf32> to vector<2048x128xf32>
    %max3A_861 = vector.broadcast %get3A_847 : vector<1x128xf32> to vector<2048x128xf32>
    %max3A_862 = arith.maximumf %max3A_860, %max3A_861 : vector<2048x128xf32>
    %min3A_863 = vector.broadcast %get3A_18 : vector<2048x1xf32> to vector<2048x128xf32>
    %min3A_864 = vector.broadcast %get3A_850 : vector<1x128xf32> to vector<2048x128xf32>
    %min3A_865 = arith.minimumf %min3A_863, %min3A_864 : vector<2048x128xf32>
    %min3A_866 = vector.broadcast %get3A_21 : vector<2048x1xf32> to vector<2048x128xf32>
    %min3A_867 = vector.broadcast %get3A_853 : vector<1x128xf32> to vector<2048x128xf32>
    %min3A_868 = arith.minimumf %min3A_866, %min3A_867 : vector<2048x128xf32>
    %sub3A_869 = arith.subf %min3A_865, %max3A_859 : vector<2048x128xf32>
    %max3A_870 = arith.constant 0.000000e+00 : f32
    %max3A_871 = vector.broadcast %max3A_870 : f32 to vector<2048x128xf32>
    %max3A_872 = arith.maximumf %sub3A_869, %max3A_871 : vector<2048x128xf32>
    %sub3A_873 = arith.subf %min3A_868, %max3A_862 : vector<2048x128xf32>
    %max3A_874 = arith.constant 0.000000e+00 : f32
    %max3A_875 = vector.broadcast %max3A_874 : f32 to vector<2048x128xf32>
    %max3A_876 = arith.maximumf %sub3A_873, %max3A_875 : vector<2048x128xf32>
    %mul3A_877 = arith.mulf %max3A_872, %max3A_876 : vector<2048x128xf32>
    %add3A_878 = vector.broadcast %mul3A : vector<2048x1xf32> to vector<2048x128xf32>
    %add3A_879 = vector.broadcast %mul3A_856 : vector<1x128xf32> to vector<2048x128xf32>
    %add3A_880 = arith.addf %add3A_878, %add3A_879 : vector<2048x128xf32>
    %sub3A_881 = arith.subf %add3A_880, %mul3A_877 : vector<2048x128xf32>
    %add3A_882 = arith.constant 9.99999971E-10 : f32
    %add3A_883 = vector.broadcast %add3A_882 : f32 to vector<2048x128xf32>
    %add3A_884 = arith.addf %sub3A_881, %add3A_883 : vector<2048x128xf32>
    %div3A_885 = arith.divf %mul3A_877, %add3A_884 : vector<2048x128xf32>
    %gt3A_886 = arith.constant 0.699999988 : f32
    %gt3A_887 = vector.broadcast %gt3A_886 : f32 to vector<2048x128xf32>
    %gt3A_888 = arith.cmpf ogt, %div3A_885, %gt3A_887 : vector<2048x128xf32>
    %jit3A_889 = arith.constant 1.000000e+00 : f32
    %jit3A_890 = arith.constant 0.000000e+00 : f32
    %broadcast_in_dim3A_891 = vector.broadcast %jit3A_889 : f32 to vector<2048x128xf32>
    %broadcast_in_dim3A_892 = vector.broadcast %jit3A_890 : f32 to vector<2048x128xf32>
    %select_n3A_893 = arith.select %gt3A_888, %broadcast_in_dim3A_891, %broadcast_in_dim3A_892 : vector<2048x128xi1>, vector<2048x128xf32>
    %get3A_894 = arith.constant 0 : index
    %get3A_895 = arith.constant 0 : index
    %get3A_896 = vector.load %arg3[%get3A_894, %get3A_895] : memref<1x2048xf32, #tpu.memory_space<vmem>>, vector<1x2048xf32>
    %dot_general3A_897 = arith.constant dense<0.000000e+00> : vector<1x128xf32>
    %dot_general3A_898 = tpu.matmul %get3A_896, %select_n3A_893, %dot_general3A_897 {dimension_numbers = #tpu.dot_dimension_numbers<[1], [0], [0], [1], [0, 0, 1, 1], [], []>, transpose_lhs_hint = false} : vector<1x2048xf32>, vector<2048x128xf32>, vector<1x128xf32> -> vector<1x128xf32>
    %gt3A_899 = arith.constant 0.000000e+00 : f32
    %gt3A_900 = vector.broadcast %gt3A_899 : f32 to vector<1x128xf32>
    %gt3A_901 = arith.cmpf ogt, %dot_general3A_898, %gt3A_900 : vector<1x128xf32>
    %jit3A_902 = arith.constant 0.000000e+00 : f32
    %jit3A_903 = arith.constant 1.000000e+00 : f32
    %broadcast_in_dim3A_904 = vector.broadcast %jit3A_902 : f32 to vector<1x128xf32>
    %broadcast_in_dim3A_905 = vector.broadcast %jit3A_903 : f32 to vector<1x128xf32>
    %select_n3A_906 = arith.select %gt3A_901, %broadcast_in_dim3A_904, %broadcast_in_dim3A_905 : vector<1x128xi1>, vector<1x128xf32>
    %lt3A_907 = arith.cmpi slt, %iota3A, %iota3A_27 : vector<128x128xi32>
    %slice3A_908 = vector.extract_strided_slice %select_n3A_893 {offsets = [1408, 0], sizes = [128, 128], strides = [1, 1]} : vector<2048x128xf32> to vector<128x128xf32>
    %jit3A_909 = arith.constant 0.000000e+00 : f32
    %broadcast_in_dim3A_910 = vector.broadcast %jit3A_909 : f32 to vector<128x128xf32>
    %select_n3A_911 = arith.select %lt3A_907, %slice3A_908, %broadcast_in_dim3A_910 : vector<128x128xi1>, vector<128x128xf32>
    %while3A_912 = arith.constant true
    %while3A_913:2 = scf.while (%while3A_1217 = %select_n3A_906, %while3A_1218 = %while3A_912) : (vector<1x128xf32>, i1) -> (vector<1x128xf32>, i1) {
      scf.condition(%while3A_1218) %while3A_1217, %while3A_1218 : vector<1x128xf32>, i1
    } do {
    ^bb0(%while3A_1217: vector<1x128xf32>, %while3A_1218: i1):
      %dot_general3A_1219 = arith.constant dense<0.000000e+00> : vector<1x128xf32>
      %dot_general3A_1220 = tpu.matmul %while3A_1217, %select_n3A_911, %dot_general3A_1219 {dimension_numbers = #tpu.dot_dimension_numbers<[1], [0], [0], [1], [0, 0, 1, 1], [], []>, transpose_lhs_hint = false} : vector<1x128xf32>, vector<128x128xf32>, vector<1x128xf32> -> vector<1x128xf32>
      %gt3A_1221 = arith.constant 0.000000e+00 : f32
      %gt3A_1222 = vector.broadcast %gt3A_1221 : f32 to vector<1x128xf32>
      %gt3A_1223 = arith.cmpf ogt, %dot_general3A_1220, %gt3A_1222 : vector<1x128xf32>
      %jit3A_1224 = arith.constant 0.000000e+00 : f32
      %jit3A_1225 = arith.constant 1.000000e+00 : f32
      %broadcast_in_dim3A_1226 = vector.broadcast %jit3A_1224 : f32 to vector<1x128xf32>
      %broadcast_in_dim3A_1227 = vector.broadcast %jit3A_1225 : f32 to vector<1x128xf32>
      %select_n3A_1228 = arith.select %gt3A_1223, %broadcast_in_dim3A_1226, %broadcast_in_dim3A_1227 : vector<1x128xi1>, vector<1x128xf32>
      %mul3A_1229 = arith.mulf %select_n3A_906, %select_n3A_1228 : vector<1x128xf32>
      %ne3A = arith.cmpf one, %mul3A_1229, %while3A_1217 : vector<1x128xf32>
      %reduce_or3A = arith.constant 1.000000e+00 : f32
      %reduce_or3A_1230 = arith.constant 0.000000e+00 : f32
      %reduce_or3A_1231 = vector.broadcast %reduce_or3A : f32 to vector<1x128xf32>
      %reduce_or3A_1232 = vector.broadcast %reduce_or3A_1230 : f32 to vector<1x128xf32>
      %reduce_or3A_1233 = arith.select %ne3A, %reduce_or3A_1231, %reduce_or3A_1232 : vector<1x128xi1>, vector<1x128xf32>
      %reduce_or3A_1234 = vector.shape_cast %reduce_or3A_1233 : vector<1x128xf32> to vector<1x1x128xf32>
      %reduce_or3A_1235 = arith.constant dense<0xFF800000> : vector<1xf32>
      %reduce_or3A_1236 = vector.multi_reduction <maximumf>, %reduce_or3A_1234, %reduce_or3A_1235 [1, 2] : vector<1x1x128xf32> to vector<1xf32>
      %reduce_or3A_1237 = vector.shape_cast %reduce_or3A_1236 : vector<1xf32> to vector<1x1x1xf32>
      %reduce_or3A_1238 = vector.extract %reduce_or3A_1237[0, 0, 0] : f32 from vector<1x1x1xf32>
      %reduce_or3A_1239 = arith.constant 0.000000e+00 : f32
      %reduce_or3A_1240 = arith.cmpf ogt, %reduce_or3A_1238, %reduce_or3A_1239 : f32
      scf.yield %mul3A_1229, %reduce_or3A_1240 : vector<1x128xf32>, i1
    }
    %swap3A_914 = arith.constant 0 : index
    %swap3A_915 = arith.constant 1408 : index
    %swap3A_916 = vector.load %arg3[%swap3A_914, %swap3A_915] : memref<1x2048xf32, #tpu.memory_space<vmem>>, vector<1x128xf32>
    tpu.vector_store %arg3[%swap3A_914, %swap3A_915], %while3A_913#0 {strides = array<i32>} : memref<1x2048xf32, #tpu.memory_space<vmem>>, vector<1x128xf32>,
    %get3A_917 = arith.constant 0 : index
    %get3A_918 = arith.constant 1536 : index
    %get3A_919 = vector.load %arg0[%get3A_917, %get3A_918] : memref<4x2048xf32, #tpu.memory_space<vmem>>, vector<1x128xf32>
    %get3A_920 = arith.constant 1 : index
    %get3A_921 = arith.constant 1536 : index
    %get3A_922 = vector.load %arg0[%get3A_920, %get3A_921] : memref<4x2048xf32, #tpu.memory_space<vmem>>, vector<1x128xf32>
    %get3A_923 = arith.constant 2 : index
    %get3A_924 = arith.constant 1536 : index
    %get3A_925 = vector.load %arg0[%get3A_923, %get3A_924] : memref<4x2048xf32, #tpu.memory_space<vmem>>, vector<1x128xf32>
    %get3A_926 = arith.constant 3 : index
    %get3A_927 = arith.constant 1536 : index
    %get3A_928 = vector.load %arg0[%get3A_926, %get3A_927] : memref<4x2048xf32, #tpu.memory_space<vmem>>, vector<1x128xf32>
    %sub3A_929 = arith.subf %get3A_925, %get3A_919 : vector<1x128xf32>
    %sub3A_930 = arith.subf %get3A_928, %get3A_922 : vector<1x128xf32>
    %mul3A_931 = arith.mulf %sub3A_929, %sub3A_930 : vector<1x128xf32>
    %max3A_932 = vector.broadcast %get3A_12 : vector<2048x1xf32> to vector<2048x128xf32>
    %max3A_933 = vector.broadcast %get3A_919 : vector<1x128xf32> to vector<2048x128xf32>
    %max3A_934 = arith.maximumf %max3A_932, %max3A_933 : vector<2048x128xf32>
    %max3A_935 = vector.broadcast %get3A_15 : vector<2048x1xf32> to vector<2048x128xf32>
    %max3A_936 = vector.broadcast %get3A_922 : vector<1x128xf32> to vector<2048x128xf32>
    %max3A_937 = arith.maximumf %max3A_935, %max3A_936 : vector<2048x128xf32>
    %min3A_938 = vector.broadcast %get3A_18 : vector<2048x1xf32> to vector<2048x128xf32>
    %min3A_939 = vector.broadcast %get3A_925 : vector<1x128xf32> to vector<2048x128xf32>
    %min3A_940 = arith.minimumf %min3A_938, %min3A_939 : vector<2048x128xf32>
    %min3A_941 = vector.broadcast %get3A_21 : vector<2048x1xf32> to vector<2048x128xf32>
    %min3A_942 = vector.broadcast %get3A_928 : vector<1x128xf32> to vector<2048x128xf32>
    %min3A_943 = arith.minimumf %min3A_941, %min3A_942 : vector<2048x128xf32>
    %sub3A_944 = arith.subf %min3A_940, %max3A_934 : vector<2048x128xf32>
    %max3A_945 = arith.constant 0.000000e+00 : f32
    %max3A_946 = vector.broadcast %max3A_945 : f32 to vector<2048x128xf32>
    %max3A_947 = arith.maximumf %sub3A_944, %max3A_946 : vector<2048x128xf32>
    %sub3A_948 = arith.subf %min3A_943, %max3A_937 : vector<2048x128xf32>
    %max3A_949 = arith.constant 0.000000e+00 : f32
    %max3A_950 = vector.broadcast %max3A_949 : f32 to vector<2048x128xf32>
    %max3A_951 = arith.maximumf %sub3A_948, %max3A_950 : vector<2048x128xf32>
    %mul3A_952 = arith.mulf %max3A_947, %max3A_951 : vector<2048x128xf32>
    %add3A_953 = vector.broadcast %mul3A : vector<2048x1xf32> to vector<2048x128xf32>
    %add3A_954 = vector.broadcast %mul3A_931 : vector<1x128xf32> to vector<2048x128xf32>
    %add3A_955 = arith.addf %add3A_953, %add3A_954 : vector<2048x128xf32>
    %sub3A_956 = arith.subf %add3A_955, %mul3A_952 : vector<2048x128xf32>
    %add3A_957 = arith.constant 9.99999971E-10 : f32
    %add3A_958 = vector.broadcast %add3A_957 : f32 to vector<2048x128xf32>
    %add3A_959 = arith.addf %sub3A_956, %add3A_958 : vector<2048x128xf32>
    %div3A_960 = arith.divf %mul3A_952, %add3A_959 : vector<2048x128xf32>
    %gt3A_961 = arith.constant 0.699999988 : f32
    %gt3A_962 = vector.broadcast %gt3A_961 : f32 to vector<2048x128xf32>
    %gt3A_963 = arith.cmpf ogt, %div3A_960, %gt3A_962 : vector<2048x128xf32>
    %jit3A_964 = arith.constant 1.000000e+00 : f32
    %jit3A_965 = arith.constant 0.000000e+00 : f32
    %broadcast_in_dim3A_966 = vector.broadcast %jit3A_964 : f32 to vector<2048x128xf32>
    %broadcast_in_dim3A_967 = vector.broadcast %jit3A_965 : f32 to vector<2048x128xf32>
    %select_n3A_968 = arith.select %gt3A_963, %broadcast_in_dim3A_966, %broadcast_in_dim3A_967 : vector<2048x128xi1>, vector<2048x128xf32>
    %get3A_969 = arith.constant 0 : index
    %get3A_970 = arith.constant 0 : index
    %get3A_971 = vector.load %arg3[%get3A_969, %get3A_970] : memref<1x2048xf32, #tpu.memory_space<vmem>>, vector<1x2048xf32>
    %dot_general3A_972 = arith.constant dense<0.000000e+00> : vector<1x128xf32>
    %dot_general3A_973 = tpu.matmul %get3A_971, %select_n3A_968, %dot_general3A_972 {dimension_numbers = #tpu.dot_dimension_numbers<[1], [0], [0], [1], [0, 0, 1, 1], [], []>, transpose_lhs_hint = false} : vector<1x2048xf32>, vector<2048x128xf32>, vector<1x128xf32> -> vector<1x128xf32>
    %gt3A_974 = arith.constant 0.000000e+00 : f32
    %gt3A_975 = vector.broadcast %gt3A_974 : f32 to vector<1x128xf32>
    %gt3A_976 = arith.cmpf ogt, %dot_general3A_973, %gt3A_975 : vector<1x128xf32>
    %jit3A_977 = arith.constant 0.000000e+00 : f32
    %jit3A_978 = arith.constant 1.000000e+00 : f32
    %broadcast_in_dim3A_979 = vector.broadcast %jit3A_977 : f32 to vector<1x128xf32>
    %broadcast_in_dim3A_980 = vector.broadcast %jit3A_978 : f32 to vector<1x128xf32>
    %select_n3A_981 = arith.select %gt3A_976, %broadcast_in_dim3A_979, %broadcast_in_dim3A_980 : vector<1x128xi1>, vector<1x128xf32>
    %lt3A_982 = arith.cmpi slt, %iota3A, %iota3A_27 : vector<128x128xi32>
    %slice3A_983 = vector.extract_strided_slice %select_n3A_968 {offsets = [1536, 0], sizes = [128, 128], strides = [1, 1]} : vector<2048x128xf32> to vector<128x128xf32>
    %jit3A_984 = arith.constant 0.000000e+00 : f32
    %broadcast_in_dim3A_985 = vector.broadcast %jit3A_984 : f32 to vector<128x128xf32>
    %select_n3A_986 = arith.select %lt3A_982, %slice3A_983, %broadcast_in_dim3A_985 : vector<128x128xi1>, vector<128x128xf32>
    %while3A_987 = arith.constant true
    %while3A_988:2 = scf.while (%while3A_1217 = %select_n3A_981, %while3A_1218 = %while3A_987) : (vector<1x128xf32>, i1) -> (vector<1x128xf32>, i1) {
      scf.condition(%while3A_1218) %while3A_1217, %while3A_1218 : vector<1x128xf32>, i1
    } do {
    ^bb0(%while3A_1217: vector<1x128xf32>, %while3A_1218: i1):
      %dot_general3A_1219 = arith.constant dense<0.000000e+00> : vector<1x128xf32>
      %dot_general3A_1220 = tpu.matmul %while3A_1217, %select_n3A_986, %dot_general3A_1219 {dimension_numbers = #tpu.dot_dimension_numbers<[1], [0], [0], [1], [0, 0, 1, 1], [], []>, transpose_lhs_hint = false} : vector<1x128xf32>, vector<128x128xf32>, vector<1x128xf32> -> vector<1x128xf32>
      %gt3A_1221 = arith.constant 0.000000e+00 : f32
      %gt3A_1222 = vector.broadcast %gt3A_1221 : f32 to vector<1x128xf32>
      %gt3A_1223 = arith.cmpf ogt, %dot_general3A_1220, %gt3A_1222 : vector<1x128xf32>
      %jit3A_1224 = arith.constant 0.000000e+00 : f32
      %jit3A_1225 = arith.constant 1.000000e+00 : f32
      %broadcast_in_dim3A_1226 = vector.broadcast %jit3A_1224 : f32 to vector<1x128xf32>
      %broadcast_in_dim3A_1227 = vector.broadcast %jit3A_1225 : f32 to vector<1x128xf32>
      %select_n3A_1228 = arith.select %gt3A_1223, %broadcast_in_dim3A_1226, %broadcast_in_dim3A_1227 : vector<1x128xi1>, vector<1x128xf32>
      %mul3A_1229 = arith.mulf %select_n3A_981, %select_n3A_1228 : vector<1x128xf32>
      %ne3A = arith.cmpf one, %mul3A_1229, %while3A_1217 : vector<1x128xf32>
      %reduce_or3A = arith.constant 1.000000e+00 : f32
      %reduce_or3A_1230 = arith.constant 0.000000e+00 : f32
      %reduce_or3A_1231 = vector.broadcast %reduce_or3A : f32 to vector<1x128xf32>
      %reduce_or3A_1232 = vector.broadcast %reduce_or3A_1230 : f32 to vector<1x128xf32>
      %reduce_or3A_1233 = arith.select %ne3A, %reduce_or3A_1231, %reduce_or3A_1232 : vector<1x128xi1>, vector<1x128xf32>
      %reduce_or3A_1234 = vector.shape_cast %reduce_or3A_1233 : vector<1x128xf32> to vector<1x1x128xf32>
      %reduce_or3A_1235 = arith.constant dense<0xFF800000> : vector<1xf32>
      %reduce_or3A_1236 = vector.multi_reduction <maximumf>, %reduce_or3A_1234, %reduce_or3A_1235 [1, 2] : vector<1x1x128xf32> to vector<1xf32>
      %reduce_or3A_1237 = vector.shape_cast %reduce_or3A_1236 : vector<1xf32> to vector<1x1x1xf32>
      %reduce_or3A_1238 = vector.extract %reduce_or3A_1237[0, 0, 0] : f32 from vector<1x1x1xf32>
      %reduce_or3A_1239 = arith.constant 0.000000e+00 : f32
      %reduce_or3A_1240 = arith.cmpf ogt, %reduce_or3A_1238, %reduce_or3A_1239 : f32
      scf.yield %mul3A_1229, %reduce_or3A_1240 : vector<1x128xf32>, i1
    }
    %swap3A_989 = arith.constant 0 : index
    %swap3A_990 = arith.constant 1536 : index
    %swap3A_991 = vector.load %arg3[%swap3A_989, %swap3A_990] : memref<1x2048xf32, #tpu.memory_space<vmem>>, vector<1x128xf32>
    tpu.vector_store %arg3[%swap3A_989, %swap3A_990], %while3A_988#0 {strides = array<i32>} : memref<1x2048xf32, #tpu.memory_space<vmem>>, vector<1x128xf32>,
    %get3A_992 = arith.constant 0 : index
    %get3A_993 = arith.constant 1664 : index
    %get3A_994 = vector.load %arg0[%get3A_992, %get3A_993] : memref<4x2048xf32, #tpu.memory_space<vmem>>, vector<1x128xf32>
    %get3A_995 = arith.constant 1 : index
    %get3A_996 = arith.constant 1664 : index
    %get3A_997 = vector.load %arg0[%get3A_995, %get3A_996] : memref<4x2048xf32, #tpu.memory_space<vmem>>, vector<1x128xf32>
    %get3A_998 = arith.constant 2 : index
    %get3A_999 = arith.constant 1664 : index
    %get3A_1000 = vector.load %arg0[%get3A_998, %get3A_999] : memref<4x2048xf32, #tpu.memory_space<vmem>>, vector<1x128xf32>
    %get3A_1001 = arith.constant 3 : index
    %get3A_1002 = arith.constant 1664 : index
    %get3A_1003 = vector.load %arg0[%get3A_1001, %get3A_1002] : memref<4x2048xf32, #tpu.memory_space<vmem>>, vector<1x128xf32>
    %sub3A_1004 = arith.subf %get3A_1000, %get3A_994 : vector<1x128xf32>
    %sub3A_1005 = arith.subf %get3A_1003, %get3A_997 : vector<1x128xf32>
    %mul3A_1006 = arith.mulf %sub3A_1004, %sub3A_1005 : vector<1x128xf32>
    %max3A_1007 = vector.broadcast %get3A_12 : vector<2048x1xf32> to vector<2048x128xf32>
    %max3A_1008 = vector.broadcast %get3A_994 : vector<1x128xf32> to vector<2048x128xf32>
    %max3A_1009 = arith.maximumf %max3A_1007, %max3A_1008 : vector<2048x128xf32>
    %max3A_1010 = vector.broadcast %get3A_15 : vector<2048x1xf32> to vector<2048x128xf32>
    %max3A_1011 = vector.broadcast %get3A_997 : vector<1x128xf32> to vector<2048x128xf32>
    %max3A_1012 = arith.maximumf %max3A_1010, %max3A_1011 : vector<2048x128xf32>
    %min3A_1013 = vector.broadcast %get3A_18 : vector<2048x1xf32> to vector<2048x128xf32>
    %min3A_1014 = vector.broadcast %get3A_1000 : vector<1x128xf32> to vector<2048x128xf32>
    %min3A_1015 = arith.minimumf %min3A_1013, %min3A_1014 : vector<2048x128xf32>
    %min3A_1016 = vector.broadcast %get3A_21 : vector<2048x1xf32> to vector<2048x128xf32>
    %min3A_1017 = vector.broadcast %get3A_1003 : vector<1x128xf32> to vector<2048x128xf32>
    %min3A_1018 = arith.minimumf %min3A_1016, %min3A_1017 : vector<2048x128xf32>
    %sub3A_1019 = arith.subf %min3A_1015, %max3A_1009 : vector<2048x128xf32>
    %max3A_1020 = arith.constant 0.000000e+00 : f32
    %max3A_1021 = vector.broadcast %max3A_1020 : f32 to vector<2048x128xf32>
    %max3A_1022 = arith.maximumf %sub3A_1019, %max3A_1021 : vector<2048x128xf32>
    %sub3A_1023 = arith.subf %min3A_1018, %max3A_1012 : vector<2048x128xf32>
    %max3A_1024 = arith.constant 0.000000e+00 : f32
    %max3A_1025 = vector.broadcast %max3A_1024 : f32 to vector<2048x128xf32>
    %max3A_1026 = arith.maximumf %sub3A_1023, %max3A_1025 : vector<2048x128xf32>
    %mul3A_1027 = arith.mulf %max3A_1022, %max3A_1026 : vector<2048x128xf32>
    %add3A_1028 = vector.broadcast %mul3A : vector<2048x1xf32> to vector<2048x128xf32>
    %add3A_1029 = vector.broadcast %mul3A_1006 : vector<1x128xf32> to vector<2048x128xf32>
    %add3A_1030 = arith.addf %add3A_1028, %add3A_1029 : vector<2048x128xf32>
    %sub3A_1031 = arith.subf %add3A_1030, %mul3A_1027 : vector<2048x128xf32>
    %add3A_1032 = arith.constant 9.99999971E-10 : f32
    %add3A_1033 = vector.broadcast %add3A_1032 : f32 to vector<2048x128xf32>
    %add3A_1034 = arith.addf %sub3A_1031, %add3A_1033 : vector<2048x128xf32>
    %div3A_1035 = arith.divf %mul3A_1027, %add3A_1034 : vector<2048x128xf32>
    %gt3A_1036 = arith.constant 0.699999988 : f32
    %gt3A_1037 = vector.broadcast %gt3A_1036 : f32 to vector<2048x128xf32>
    %gt3A_1038 = arith.cmpf ogt, %div3A_1035, %gt3A_1037 : vector<2048x128xf32>
    %jit3A_1039 = arith.constant 1.000000e+00 : f32
    %jit3A_1040 = arith.constant 0.000000e+00 : f32
    %broadcast_in_dim3A_1041 = vector.broadcast %jit3A_1039 : f32 to vector<2048x128xf32>
    %broadcast_in_dim3A_1042 = vector.broadcast %jit3A_1040 : f32 to vector<2048x128xf32>
    %select_n3A_1043 = arith.select %gt3A_1038, %broadcast_in_dim3A_1041, %broadcast_in_dim3A_1042 : vector<2048x128xi1>, vector<2048x128xf32>
    %get3A_1044 = arith.constant 0 : index
    %get3A_1045 = arith.constant 0 : index
    %get3A_1046 = vector.load %arg3[%get3A_1044, %get3A_1045] : memref<1x2048xf32, #tpu.memory_space<vmem>>, vector<1x2048xf32>
    %dot_general3A_1047 = arith.constant dense<0.000000e+00> : vector<1x128xf32>
    %dot_general3A_1048 = tpu.matmul %get3A_1046, %select_n3A_1043, %dot_general3A_1047 {dimension_numbers = #tpu.dot_dimension_numbers<[1], [0], [0], [1], [0, 0, 1, 1], [], []>, transpose_lhs_hint = false} : vector<1x2048xf32>, vector<2048x128xf32>, vector<1x128xf32> -> vector<1x128xf32>
    %gt3A_1049 = arith.constant 0.000000e+00 : f32
    %gt3A_1050 = vector.broadcast %gt3A_1049 : f32 to vector<1x128xf32>
    %gt3A_1051 = arith.cmpf ogt, %dot_general3A_1048, %gt3A_1050 : vector<1x128xf32>
    %jit3A_1052 = arith.constant 0.000000e+00 : f32
    %jit3A_1053 = arith.constant 1.000000e+00 : f32
    %broadcast_in_dim3A_1054 = vector.broadcast %jit3A_1052 : f32 to vector<1x128xf32>
    %broadcast_in_dim3A_1055 = vector.broadcast %jit3A_1053 : f32 to vector<1x128xf32>
    %select_n3A_1056 = arith.select %gt3A_1051, %broadcast_in_dim3A_1054, %broadcast_in_dim3A_1055 : vector<1x128xi1>, vector<1x128xf32>
    %lt3A_1057 = arith.cmpi slt, %iota3A, %iota3A_27 : vector<128x128xi32>
    %slice3A_1058 = vector.extract_strided_slice %select_n3A_1043 {offsets = [1664, 0], sizes = [128, 128], strides = [1, 1]} : vector<2048x128xf32> to vector<128x128xf32>
    %jit3A_1059 = arith.constant 0.000000e+00 : f32
    %broadcast_in_dim3A_1060 = vector.broadcast %jit3A_1059 : f32 to vector<128x128xf32>
    %select_n3A_1061 = arith.select %lt3A_1057, %slice3A_1058, %broadcast_in_dim3A_1060 : vector<128x128xi1>, vector<128x128xf32>
    %while3A_1062 = arith.constant true
    %while3A_1063:2 = scf.while (%while3A_1217 = %select_n3A_1056, %while3A_1218 = %while3A_1062) : (vector<1x128xf32>, i1) -> (vector<1x128xf32>, i1) {
      scf.condition(%while3A_1218) %while3A_1217, %while3A_1218 : vector<1x128xf32>, i1
    } do {
    ^bb0(%while3A_1217: vector<1x128xf32>, %while3A_1218: i1):
      %dot_general3A_1219 = arith.constant dense<0.000000e+00> : vector<1x128xf32>
      %dot_general3A_1220 = tpu.matmul %while3A_1217, %select_n3A_1061, %dot_general3A_1219 {dimension_numbers = #tpu.dot_dimension_numbers<[1], [0], [0], [1], [0, 0, 1, 1], [], []>, transpose_lhs_hint = false} : vector<1x128xf32>, vector<128x128xf32>, vector<1x128xf32> -> vector<1x128xf32>
      %gt3A_1221 = arith.constant 0.000000e+00 : f32
      %gt3A_1222 = vector.broadcast %gt3A_1221 : f32 to vector<1x128xf32>
      %gt3A_1223 = arith.cmpf ogt, %dot_general3A_1220, %gt3A_1222 : vector<1x128xf32>
      %jit3A_1224 = arith.constant 0.000000e+00 : f32
      %jit3A_1225 = arith.constant 1.000000e+00 : f32
      %broadcast_in_dim3A_1226 = vector.broadcast %jit3A_1224 : f32 to vector<1x128xf32>
      %broadcast_in_dim3A_1227 = vector.broadcast %jit3A_1225 : f32 to vector<1x128xf32>
      %select_n3A_1228 = arith.select %gt3A_1223, %broadcast_in_dim3A_1226, %broadcast_in_dim3A_1227 : vector<1x128xi1>, vector<1x128xf32>
      %mul3A_1229 = arith.mulf %select_n3A_1056, %select_n3A_1228 : vector<1x128xf32>
      %ne3A = arith.cmpf one, %mul3A_1229, %while3A_1217 : vector<1x128xf32>
      %reduce_or3A = arith.constant 1.000000e+00 : f32
      %reduce_or3A_1230 = arith.constant 0.000000e+00 : f32
      %reduce_or3A_1231 = vector.broadcast %reduce_or3A : f32 to vector<1x128xf32>
      %reduce_or3A_1232 = vector.broadcast %reduce_or3A_1230 : f32 to vector<1x128xf32>
      %reduce_or3A_1233 = arith.select %ne3A, %reduce_or3A_1231, %reduce_or3A_1232 : vector<1x128xi1>, vector<1x128xf32>
      %reduce_or3A_1234 = vector.shape_cast %reduce_or3A_1233 : vector<1x128xf32> to vector<1x1x128xf32>
      %reduce_or3A_1235 = arith.constant dense<0xFF800000> : vector<1xf32>
      %reduce_or3A_1236 = vector.multi_reduction <maximumf>, %reduce_or3A_1234, %reduce_or3A_1235 [1, 2] : vector<1x1x128xf32> to vector<1xf32>
      %reduce_or3A_1237 = vector.shape_cast %reduce_or3A_1236 : vector<1xf32> to vector<1x1x1xf32>
      %reduce_or3A_1238 = vector.extract %reduce_or3A_1237[0, 0, 0] : f32 from vector<1x1x1xf32>
      %reduce_or3A_1239 = arith.constant 0.000000e+00 : f32
      %reduce_or3A_1240 = arith.cmpf ogt, %reduce_or3A_1238, %reduce_or3A_1239 : f32
      scf.yield %mul3A_1229, %reduce_or3A_1240 : vector<1x128xf32>, i1
    }
    %swap3A_1064 = arith.constant 0 : index
    %swap3A_1065 = arith.constant 1664 : index
    %swap3A_1066 = vector.load %arg3[%swap3A_1064, %swap3A_1065] : memref<1x2048xf32, #tpu.memory_space<vmem>>, vector<1x128xf32>
    tpu.vector_store %arg3[%swap3A_1064, %swap3A_1065], %while3A_1063#0 {strides = array<i32>} : memref<1x2048xf32, #tpu.memory_space<vmem>>, vector<1x128xf32>,
    %get3A_1067 = arith.constant 0 : index
    %get3A_1068 = arith.constant 1792 : index
    %get3A_1069 = vector.load %arg0[%get3A_1067, %get3A_1068] : memref<4x2048xf32, #tpu.memory_space<vmem>>, vector<1x128xf32>
    %get3A_1070 = arith.constant 1 : index
    %get3A_1071 = arith.constant 1792 : index
    %get3A_1072 = vector.load %arg0[%get3A_1070, %get3A_1071] : memref<4x2048xf32, #tpu.memory_space<vmem>>, vector<1x128xf32>
    %get3A_1073 = arith.constant 2 : index
    %get3A_1074 = arith.constant 1792 : index
    %get3A_1075 = vector.load %arg0[%get3A_1073, %get3A_1074] : memref<4x2048xf32, #tpu.memory_space<vmem>>, vector<1x128xf32>
    %get3A_1076 = arith.constant 3 : index
    %get3A_1077 = arith.constant 1792 : index
    %get3A_1078 = vector.load %arg0[%get3A_1076, %get3A_1077] : memref<4x2048xf32, #tpu.memory_space<vmem>>, vector<1x128xf32>
    %sub3A_1079 = arith.subf %get3A_1075, %get3A_1069 : vector<1x128xf32>
    %sub3A_1080 = arith.subf %get3A_1078, %get3A_1072 : vector<1x128xf32>
    %mul3A_1081 = arith.mulf %sub3A_1079, %sub3A_1080 : vector<1x128xf32>
    %max3A_1082 = vector.broadcast %get3A_12 : vector<2048x1xf32> to vector<2048x128xf32>
    %max3A_1083 = vector.broadcast %get3A_1069 : vector<1x128xf32> to vector<2048x128xf32>
    %max3A_1084 = arith.maximumf %max3A_1082, %max3A_1083 : vector<2048x128xf32>
    %max3A_1085 = vector.broadcast %get3A_15 : vector<2048x1xf32> to vector<2048x128xf32>
    %max3A_1086 = vector.broadcast %get3A_1072 : vector<1x128xf32> to vector<2048x128xf32>
    %max3A_1087 = arith.maximumf %max3A_1085, %max3A_1086 : vector<2048x128xf32>
    %min3A_1088 = vector.broadcast %get3A_18 : vector<2048x1xf32> to vector<2048x128xf32>
    %min3A_1089 = vector.broadcast %get3A_1075 : vector<1x128xf32> to vector<2048x128xf32>
    %min3A_1090 = arith.minimumf %min3A_1088, %min3A_1089 : vector<2048x128xf32>
    %min3A_1091 = vector.broadcast %get3A_21 : vector<2048x1xf32> to vector<2048x128xf32>
    %min3A_1092 = vector.broadcast %get3A_1078 : vector<1x128xf32> to vector<2048x128xf32>
    %min3A_1093 = arith.minimumf %min3A_1091, %min3A_1092 : vector<2048x128xf32>
    %sub3A_1094 = arith.subf %min3A_1090, %max3A_1084 : vector<2048x128xf32>
    %max3A_1095 = arith.constant 0.000000e+00 : f32
    %max3A_1096 = vector.broadcast %max3A_1095 : f32 to vector<2048x128xf32>
    %max3A_1097 = arith.maximumf %sub3A_1094, %max3A_1096 : vector<2048x128xf32>
    %sub3A_1098 = arith.subf %min3A_1093, %max3A_1087 : vector<2048x128xf32>
    %max3A_1099 = arith.constant 0.000000e+00 : f32
    %max3A_1100 = vector.broadcast %max3A_1099 : f32 to vector<2048x128xf32>
    %max3A_1101 = arith.maximumf %sub3A_1098, %max3A_1100 : vector<2048x128xf32>
    %mul3A_1102 = arith.mulf %max3A_1097, %max3A_1101 : vector<2048x128xf32>
    %add3A_1103 = vector.broadcast %mul3A : vector<2048x1xf32> to vector<2048x128xf32>
    %add3A_1104 = vector.broadcast %mul3A_1081 : vector<1x128xf32> to vector<2048x128xf32>
    %add3A_1105 = arith.addf %add3A_1103, %add3A_1104 : vector<2048x128xf32>
    %sub3A_1106 = arith.subf %add3A_1105, %mul3A_1102 : vector<2048x128xf32>
    %add3A_1107 = arith.constant 9.99999971E-10 : f32
    %add3A_1108 = vector.broadcast %add3A_1107 : f32 to vector<2048x128xf32>
    %add3A_1109 = arith.addf %sub3A_1106, %add3A_1108 : vector<2048x128xf32>
    %div3A_1110 = arith.divf %mul3A_1102, %add3A_1109 : vector<2048x128xf32>
    %gt3A_1111 = arith.constant 0.699999988 : f32
    %gt3A_1112 = vector.broadcast %gt3A_1111 : f32 to vector<2048x128xf32>
    %gt3A_1113 = arith.cmpf ogt, %div3A_1110, %gt3A_1112 : vector<2048x128xf32>
    %jit3A_1114 = arith.constant 1.000000e+00 : f32
    %jit3A_1115 = arith.constant 0.000000e+00 : f32
    %broadcast_in_dim3A_1116 = vector.broadcast %jit3A_1114 : f32 to vector<2048x128xf32>
    %broadcast_in_dim3A_1117 = vector.broadcast %jit3A_1115 : f32 to vector<2048x128xf32>
    %select_n3A_1118 = arith.select %gt3A_1113, %broadcast_in_dim3A_1116, %broadcast_in_dim3A_1117 : vector<2048x128xi1>, vector<2048x128xf32>
    %get3A_1119 = arith.constant 0 : index
    %get3A_1120 = arith.constant 0 : index
    %get3A_1121 = vector.load %arg3[%get3A_1119, %get3A_1120] : memref<1x2048xf32, #tpu.memory_space<vmem>>, vector<1x2048xf32>
    %dot_general3A_1122 = arith.constant dense<0.000000e+00> : vector<1x128xf32>
    %dot_general3A_1123 = tpu.matmul %get3A_1121, %select_n3A_1118, %dot_general3A_1122 {dimension_numbers = #tpu.dot_dimension_numbers<[1], [0], [0], [1], [0, 0, 1, 1], [], []>, transpose_lhs_hint = false} : vector<1x2048xf32>, vector<2048x128xf32>, vector<1x128xf32> -> vector<1x128xf32>
    %gt3A_1124 = arith.constant 0.000000e+00 : f32
    %gt3A_1125 = vector.broadcast %gt3A_1124 : f32 to vector<1x128xf32>
    %gt3A_1126 = arith.cmpf ogt, %dot_general3A_1123, %gt3A_1125 : vector<1x128xf32>
    %jit3A_1127 = arith.constant 0.000000e+00 : f32
    %jit3A_1128 = arith.constant 1.000000e+00 : f32
    %broadcast_in_dim3A_1129 = vector.broadcast %jit3A_1127 : f32 to vector<1x128xf32>
    %broadcast_in_dim3A_1130 = vector.broadcast %jit3A_1128 : f32 to vector<1x128xf32>
    %select_n3A_1131 = arith.select %gt3A_1126, %broadcast_in_dim3A_1129, %broadcast_in_dim3A_1130 : vector<1x128xi1>, vector<1x128xf32>
    %lt3A_1132 = arith.cmpi slt, %iota3A, %iota3A_27 : vector<128x128xi32>
    %slice3A_1133 = vector.extract_strided_slice %select_n3A_1118 {offsets = [1792, 0], sizes = [128, 128], strides = [1, 1]} : vector<2048x128xf32> to vector<128x128xf32>
    %jit3A_1134 = arith.constant 0.000000e+00 : f32
    %broadcast_in_dim3A_1135 = vector.broadcast %jit3A_1134 : f32 to vector<128x128xf32>
    %select_n3A_1136 = arith.select %lt3A_1132, %slice3A_1133, %broadcast_in_dim3A_1135 : vector<128x128xi1>, vector<128x128xf32>
    %while3A_1137 = arith.constant true
    %while3A_1138:2 = scf.while (%while3A_1217 = %select_n3A_1131, %while3A_1218 = %while3A_1137) : (vector<1x128xf32>, i1) -> (vector<1x128xf32>, i1) {
      scf.condition(%while3A_1218) %while3A_1217, %while3A_1218 : vector<1x128xf32>, i1
    } do {
    ^bb0(%while3A_1217: vector<1x128xf32>, %while3A_1218: i1):
      %dot_general3A_1219 = arith.constant dense<0.000000e+00> : vector<1x128xf32>
      %dot_general3A_1220 = tpu.matmul %while3A_1217, %select_n3A_1136, %dot_general3A_1219 {dimension_numbers = #tpu.dot_dimension_numbers<[1], [0], [0], [1], [0, 0, 1, 1], [], []>, transpose_lhs_hint = false} : vector<1x128xf32>, vector<128x128xf32>, vector<1x128xf32> -> vector<1x128xf32>
      %gt3A_1221 = arith.constant 0.000000e+00 : f32
      %gt3A_1222 = vector.broadcast %gt3A_1221 : f32 to vector<1x128xf32>
      %gt3A_1223 = arith.cmpf ogt, %dot_general3A_1220, %gt3A_1222 : vector<1x128xf32>
      %jit3A_1224 = arith.constant 0.000000e+00 : f32
      %jit3A_1225 = arith.constant 1.000000e+00 : f32
      %broadcast_in_dim3A_1226 = vector.broadcast %jit3A_1224 : f32 to vector<1x128xf32>
      %broadcast_in_dim3A_1227 = vector.broadcast %jit3A_1225 : f32 to vector<1x128xf32>
      %select_n3A_1228 = arith.select %gt3A_1223, %broadcast_in_dim3A_1226, %broadcast_in_dim3A_1227 : vector<1x128xi1>, vector<1x128xf32>
      %mul3A_1229 = arith.mulf %select_n3A_1131, %select_n3A_1228 : vector<1x128xf32>
      %ne3A = arith.cmpf one, %mul3A_1229, %while3A_1217 : vector<1x128xf32>
      %reduce_or3A = arith.constant 1.000000e+00 : f32
      %reduce_or3A_1230 = arith.constant 0.000000e+00 : f32
      %reduce_or3A_1231 = vector.broadcast %reduce_or3A : f32 to vector<1x128xf32>
      %reduce_or3A_1232 = vector.broadcast %reduce_or3A_1230 : f32 to vector<1x128xf32>
      %reduce_or3A_1233 = arith.select %ne3A, %reduce_or3A_1231, %reduce_or3A_1232 : vector<1x128xi1>, vector<1x128xf32>
      %reduce_or3A_1234 = vector.shape_cast %reduce_or3A_1233 : vector<1x128xf32> to vector<1x1x128xf32>
      %reduce_or3A_1235 = arith.constant dense<0xFF800000> : vector<1xf32>
      %reduce_or3A_1236 = vector.multi_reduction <maximumf>, %reduce_or3A_1234, %reduce_or3A_1235 [1, 2] : vector<1x1x128xf32> to vector<1xf32>
      %reduce_or3A_1237 = vector.shape_cast %reduce_or3A_1236 : vector<1xf32> to vector<1x1x1xf32>
      %reduce_or3A_1238 = vector.extract %reduce_or3A_1237[0, 0, 0] : f32 from vector<1x1x1xf32>
      %reduce_or3A_1239 = arith.constant 0.000000e+00 : f32
      %reduce_or3A_1240 = arith.cmpf ogt, %reduce_or3A_1238, %reduce_or3A_1239 : f32
      scf.yield %mul3A_1229, %reduce_or3A_1240 : vector<1x128xf32>, i1
    }
    %swap3A_1139 = arith.constant 0 : index
    %swap3A_1140 = arith.constant 1792 : index
    %swap3A_1141 = vector.load %arg3[%swap3A_1139, %swap3A_1140] : memref<1x2048xf32, #tpu.memory_space<vmem>>, vector<1x128xf32>
    tpu.vector_store %arg3[%swap3A_1139, %swap3A_1140], %while3A_1138#0 {strides = array<i32>} : memref<1x2048xf32, #tpu.memory_space<vmem>>, vector<1x128xf32>,
    %get3A_1142 = arith.constant 0 : index
    %get3A_1143 = arith.constant 1920 : index
    %get3A_1144 = vector.load %arg0[%get3A_1142, %get3A_1143] : memref<4x2048xf32, #tpu.memory_space<vmem>>, vector<1x128xf32>
    %get3A_1145 = arith.constant 1 : index
    %get3A_1146 = arith.constant 1920 : index
    %get3A_1147 = vector.load %arg0[%get3A_1145, %get3A_1146] : memref<4x2048xf32, #tpu.memory_space<vmem>>, vector<1x128xf32>
    %get3A_1148 = arith.constant 2 : index
    %get3A_1149 = arith.constant 1920 : index
    %get3A_1150 = vector.load %arg0[%get3A_1148, %get3A_1149] : memref<4x2048xf32, #tpu.memory_space<vmem>>, vector<1x128xf32>
    %get3A_1151 = arith.constant 3 : index
    %get3A_1152 = arith.constant 1920 : index
    %get3A_1153 = vector.load %arg0[%get3A_1151, %get3A_1152] : memref<4x2048xf32, #tpu.memory_space<vmem>>, vector<1x128xf32>
    %sub3A_1154 = arith.subf %get3A_1150, %get3A_1144 : vector<1x128xf32>
    %sub3A_1155 = arith.subf %get3A_1153, %get3A_1147 : vector<1x128xf32>
    %mul3A_1156 = arith.mulf %sub3A_1154, %sub3A_1155 : vector<1x128xf32>
    %max3A_1157 = vector.broadcast %get3A_12 : vector<2048x1xf32> to vector<2048x128xf32>
    %max3A_1158 = vector.broadcast %get3A_1144 : vector<1x128xf32> to vector<2048x128xf32>
    %max3A_1159 = arith.maximumf %max3A_1157, %max3A_1158 : vector<2048x128xf32>
    %max3A_1160 = vector.broadcast %get3A_15 : vector<2048x1xf32> to vector<2048x128xf32>
    %max3A_1161 = vector.broadcast %get3A_1147 : vector<1x128xf32> to vector<2048x128xf32>
    %max3A_1162 = arith.maximumf %max3A_1160, %max3A_1161 : vector<2048x128xf32>
    %min3A_1163 = vector.broadcast %get3A_18 : vector<2048x1xf32> to vector<2048x128xf32>
    %min3A_1164 = vector.broadcast %get3A_1150 : vector<1x128xf32> to vector<2048x128xf32>
    %min3A_1165 = arith.minimumf %min3A_1163, %min3A_1164 : vector<2048x128xf32>
    %min3A_1166 = vector.broadcast %get3A_21 : vector<2048x1xf32> to vector<2048x128xf32>
    %min3A_1167 = vector.broadcast %get3A_1153 : vector<1x128xf32> to vector<2048x128xf32>
    %min3A_1168 = arith.minimumf %min3A_1166, %min3A_1167 : vector<2048x128xf32>
    %sub3A_1169 = arith.subf %min3A_1165, %max3A_1159 : vector<2048x128xf32>
    %max3A_1170 = arith.constant 0.000000e+00 : f32
    %max3A_1171 = vector.broadcast %max3A_1170 : f32 to vector<2048x128xf32>
    %max3A_1172 = arith.maximumf %sub3A_1169, %max3A_1171 : vector<2048x128xf32>
    %sub3A_1173 = arith.subf %min3A_1168, %max3A_1162 : vector<2048x128xf32>
    %max3A_1174 = arith.constant 0.000000e+00 : f32
    %max3A_1175 = vector.broadcast %max3A_1174 : f32 to vector<2048x128xf32>
    %max3A_1176 = arith.maximumf %sub3A_1173, %max3A_1175 : vector<2048x128xf32>
    %mul3A_1177 = arith.mulf %max3A_1172, %max3A_1176 : vector<2048x128xf32>
    %add3A_1178 = vector.broadcast %mul3A : vector<2048x1xf32> to vector<2048x128xf32>
    %add3A_1179 = vector.broadcast %mul3A_1156 : vector<1x128xf32> to vector<2048x128xf32>
    %add3A_1180 = arith.addf %add3A_1178, %add3A_1179 : vector<2048x128xf32>
    %sub3A_1181 = arith.subf %add3A_1180, %mul3A_1177 : vector<2048x128xf32>
    %add3A_1182 = arith.constant 9.99999971E-10 : f32
    %add3A_1183 = vector.broadcast %add3A_1182 : f32 to vector<2048x128xf32>
    %add3A_1184 = arith.addf %sub3A_1181, %add3A_1183 : vector<2048x128xf32>
    %div3A_1185 = arith.divf %mul3A_1177, %add3A_1184 : vector<2048x128xf32>
    %gt3A_1186 = arith.constant 0.699999988 : f32
    %gt3A_1187 = vector.broadcast %gt3A_1186 : f32 to vector<2048x128xf32>
    %gt3A_1188 = arith.cmpf ogt, %div3A_1185, %gt3A_1187 : vector<2048x128xf32>
    %jit3A_1189 = arith.constant 1.000000e+00 : f32
    %jit3A_1190 = arith.constant 0.000000e+00 : f32
    %broadcast_in_dim3A_1191 = vector.broadcast %jit3A_1189 : f32 to vector<2048x128xf32>
    %broadcast_in_dim3A_1192 = vector.broadcast %jit3A_1190 : f32 to vector<2048x128xf32>
    %select_n3A_1193 = arith.select %gt3A_1188, %broadcast_in_dim3A_1191, %broadcast_in_dim3A_1192 : vector<2048x128xi1>, vector<2048x128xf32>
    %get3A_1194 = arith.constant 0 : index
    %get3A_1195 = arith.constant 0 : index
    %get3A_1196 = vector.load %arg3[%get3A_1194, %get3A_1195] : memref<1x2048xf32, #tpu.memory_space<vmem>>, vector<1x2048xf32>
    %dot_general3A_1197 = arith.constant dense<0.000000e+00> : vector<1x128xf32>
    %dot_general3A_1198 = tpu.matmul %get3A_1196, %select_n3A_1193, %dot_general3A_1197 {dimension_numbers = #tpu.dot_dimension_numbers<[1], [0], [0], [1], [0, 0, 1, 1], [], []>, transpose_lhs_hint = false} : vector<1x2048xf32>, vector<2048x128xf32>, vector<1x128xf32> -> vector<1x128xf32>
    %gt3A_1199 = arith.constant 0.000000e+00 : f32
    %gt3A_1200 = vector.broadcast %gt3A_1199 : f32 to vector<1x128xf32>
    %gt3A_1201 = arith.cmpf ogt, %dot_general3A_1198, %gt3A_1200 : vector<1x128xf32>
    %jit3A_1202 = arith.constant 0.000000e+00 : f32
    %jit3A_1203 = arith.constant 1.000000e+00 : f32
    %broadcast_in_dim3A_1204 = vector.broadcast %jit3A_1202 : f32 to vector<1x128xf32>
    %broadcast_in_dim3A_1205 = vector.broadcast %jit3A_1203 : f32 to vector<1x128xf32>
    %select_n3A_1206 = arith.select %gt3A_1201, %broadcast_in_dim3A_1204, %broadcast_in_dim3A_1205 : vector<1x128xi1>, vector<1x128xf32>
    %lt3A_1207 = arith.cmpi slt, %iota3A, %iota3A_27 : vector<128x128xi32>
    %slice3A_1208 = vector.extract_strided_slice %select_n3A_1193 {offsets = [1920, 0], sizes = [128, 128], strides = [1, 1]} : vector<2048x128xf32> to vector<128x128xf32>
    %jit3A_1209 = arith.constant 0.000000e+00 : f32
    %broadcast_in_dim3A_1210 = vector.broadcast %jit3A_1209 : f32 to vector<128x128xf32>
    %select_n3A_1211 = arith.select %lt3A_1207, %slice3A_1208, %broadcast_in_dim3A_1210 : vector<128x128xi1>, vector<128x128xf32>
    %while3A_1212 = arith.constant true
    %while3A_1213:2 = scf.while (%while3A_1217 = %select_n3A_1206, %while3A_1218 = %while3A_1212) : (vector<1x128xf32>, i1) -> (vector<1x128xf32>, i1) {
      scf.condition(%while3A_1218) %while3A_1217, %while3A_1218 : vector<1x128xf32>, i1
    } do {
    ^bb0(%while3A_1217: vector<1x128xf32>, %while3A_1218: i1):
      %dot_general3A_1219 = arith.constant dense<0.000000e+00> : vector<1x128xf32>
      %dot_general3A_1220 = tpu.matmul %while3A_1217, %select_n3A_1211, %dot_general3A_1219 {dimension_numbers = #tpu.dot_dimension_numbers<[1], [0], [0], [1], [0, 0, 1, 1], [], []>, transpose_lhs_hint = false} : vector<1x128xf32>, vector<128x128xf32>, vector<1x128xf32> -> vector<1x128xf32>
      %gt3A_1221 = arith.constant 0.000000e+00 : f32
      %gt3A_1222 = vector.broadcast %gt3A_1221 : f32 to vector<1x128xf32>
      %gt3A_1223 = arith.cmpf ogt, %dot_general3A_1220, %gt3A_1222 : vector<1x128xf32>
      %jit3A_1224 = arith.constant 0.000000e+00 : f32
      %jit3A_1225 = arith.constant 1.000000e+00 : f32
      %broadcast_in_dim3A_1226 = vector.broadcast %jit3A_1224 : f32 to vector<1x128xf32>
      %broadcast_in_dim3A_1227 = vector.broadcast %jit3A_1225 : f32 to vector<1x128xf32>
      %select_n3A_1228 = arith.select %gt3A_1223, %broadcast_in_dim3A_1226, %broadcast_in_dim3A_1227 : vector<1x128xi1>, vector<1x128xf32>
      %mul3A_1229 = arith.mulf %select_n3A_1206, %select_n3A_1228 : vector<1x128xf32>
      %ne3A = arith.cmpf one, %mul3A_1229, %while3A_1217 : vector<1x128xf32>
      %reduce_or3A = arith.constant 1.000000e+00 : f32
      %reduce_or3A_1230 = arith.constant 0.000000e+00 : f32
      %reduce_or3A_1231 = vector.broadcast %reduce_or3A : f32 to vector<1x128xf32>
      %reduce_or3A_1232 = vector.broadcast %reduce_or3A_1230 : f32 to vector<1x128xf32>
      %reduce_or3A_1233 = arith.select %ne3A, %reduce_or3A_1231, %reduce_or3A_1232 : vector<1x128xi1>, vector<1x128xf32>
      %reduce_or3A_1234 = vector.shape_cast %reduce_or3A_1233 : vector<1x128xf32> to vector<1x1x128xf32>
      %reduce_or3A_1235 = arith.constant dense<0xFF800000> : vector<1xf32>
      %reduce_or3A_1236 = vector.multi_reduction <maximumf>, %reduce_or3A_1234, %reduce_or3A_1235 [1, 2] : vector<1x1x128xf32> to vector<1xf32>
      %reduce_or3A_1237 = vector.shape_cast %reduce_or3A_1236 : vector<1xf32> to vector<1x1x1xf32>
      %reduce_or3A_1238 = vector.extract %reduce_or3A_1237[0, 0, 0] : f32 from vector<1x1x1xf32>
      %reduce_or3A_1239 = arith.constant 0.000000e+00 : f32
      %reduce_or3A_1240 = arith.cmpf ogt, %reduce_or3A_1238, %reduce_or3A_1239 : f32
      scf.yield %mul3A_1229, %reduce_or3A_1240 : vector<1x128xf32>, i1
    }
    %swap3A_1214 = arith.constant 0 : index
    %swap3A_1215 = arith.constant 1920 : index
    %swap3A_1216 = vector.load %arg3[%swap3A_1214, %swap3A_1215] : memref<1x2048xf32, #tpu.memory_space<vmem>>, vector<1x128xf32>
    tpu.vector_store %arg3[%swap3A_1214, %swap3A_1215], %while3A_1213#0 {strides = array<i32>} : memref<1x2048xf32, #tpu.memory_space<vmem>>, vector<1x128xf32>,
    return
  }
}

</mosaic_0001>

<sc_bundles>
// kernel: gather_offload_async_start
scs
__scs_entry_jumppad:
0x0: {  	(pc) =	sbr.rel $0x88, $3  }
0x1: {  	(tag) =	ssettag $0x0;
	lr =	simm.s32 $0x1  }
0x2: {  	[smem:$0x3F9E] =	sst lr;
	_ =	strace $0xD0000000  }
0x3: {  	_ = 	snop  }
0x4: {  	_ = 	snop  }
0x5: {  	_ = 	snop  }
0x6: {  	_ = 	snop  }
0x7: {  	_ = 	snop  }
__scs_overlays_trampoline_lowered:
0x8: {  	[smem:$0x3FAD] =	sst s0  }
0x9: {  	[smem:$0x3FAE] =	sst s1  }
0xa: {  	[smem:$0x3FAF] =	sst s2  }
0xb: {  	[smem:$0x3FB0] =	sst s3  }
0xc: {  	[smem:$0x3FB1] =	sst s4  }
0xd: {  	[smem:$0x3FB2] =	sst s5  }
0xe: {  	[smem:$0x3FB3] =	sst s6  }
0xf: {  	[smem:$0x3FB4] =	sst s7  }
0x10: {  	[smem:$0x3FB5] =	sst s8  }
0x11: {  	[smem:$0x3FB6] =	sst s9;
	s0 =	simm.s32 @!p0 $0x0  }
0x12: {  	s1 =	sld [smem:$0x3F9C];
	s0 =	simm.s32 @p0 $0x1  }
0x13: {  	[smem:$0x3FB7] =	sst s0;
	s0 =	simm.s32 @!p1 $0x0  }
0x14: {  	s2 =	sld [smem:$0x3F9B];
	s0 =	simm.s32 @p1 $0x1  }
0x15: {  	[smem:$0x3FB8] =	sst s0;
	s0 =	simm.s32 @!p2 $0x0  }
0x16: {  	s3 =	sld [smem:$0x3FDB];
	s0 =	simm.s32 @p2 $0x1  }
0x17: {  	s4 =	simm.s32 $0x1BF5;
	[smem:$0x3FBA] =	sst s0  }
0x18: {  	s0 =	sld [smem:$0x3F9D];
	_ =	swait.ge [sflag:s4], $0x0  }
0x19: {  	s7 =	sld [smem:$0x3F9E]  }
0x1a: {  	s8 =	sadd.s32 $0xFFFFE003, lr  }
0x1b: {  	s9 =	sadd.s32 $0xFFFFFEF7, lr;
	s5 =	simm.s32 $0xFFFFFFFF;
	p2 =	slt.u32 s8, $0xFFFFF086  }
0x1c: {  	p1 =	slt.u32 s9, $0xF7A;
	s5 =	simm.s32 @!p2 $0x0  }
0x1d: {  	s5 =	simm.s32 @p1 $0x1;
	p0 =	seq.s32 s7, s2  }
0x1e: {  	s7 =	smul.u32 @!p0 $0xF7A, s2;
	p2 =	seq.s32 @!p0 s5, $0x0  }
0x1f: {  	s9 =	smul.u32 $0xF7A, s1;
	s8 =	simm.s32 @!p0 $0x1BF5;
	p2 =	por !p2, p0  }
0x20: {  	[sflag:s8] =	ssyncset.s32 @!p0 $0xFFFFF086;
	s6 =	sadd.s32 @!p0 s3, s7;
	s7 =	simm.s32 @!p0 $0x108  }
0x21: {  	s3 =	sadd.s32 s3, s9;
	s6 =	sadd.s32 @!p0 $0x88, s6;
	s7 =	simm.s32 @p2 $0x1082  }
0x22: {  	[simem:s7], [sflag:s8] =	dma.local @!p0 [hbm:s6], $0xF7A  }
0x23: {  	s9 =	sor.u32 $0xD0000000, s2;
	s6 =	simm.s32 $0x108;
	_ =	swait.ge @!p0 [sflag:s8], $0x0  }
0x24: {  	s3 =	sadd.s32 $0x88, s3;
	s6 =	simm.s32 @!p1 $0x1082;
	[sflag:s4] =	ssyncset.s32 $0xFFFFF086  }
0x25: {  	[simem:s6], [sflag:s4] =	dma.local [hbm:s3], $0xF7A  }
0x26: {  	[smem:$0x3F9E] =	sst s1;
	(tag) =	ssettag s2;
	_ =	strace s9  }
0x27: {  	s1 =	sld [smem:$0x3FAE]  }
0x28: {  	s2 =	sld [smem:$0x3FAF]  }
0x29: {  	s4 =	sld [smem:$0x3FB1]  }
0x2a: {  	p0 =	seq.s32 s5, $0x0;
	s5 =	sld [smem:$0x3FB2]  }
0x2b: {  	s6 =	sld [smem:$0x3FB3]  }
0x2c: {  	s7 =	sld [smem:$0x3FB4]  }
0x2d: {  	s3 =	simm.s32 $0x108;
	s8 =	sld [smem:$0x3FB5]  }
0x2e: {  	s3 =	simm.s32 @!p0 $0x1082;
	s9 =	sld [smem:$0x3FB6]  }
0x2f: {  	lr =	sadd.s32 s0, s3;
	s0 =	sld [smem:$0x3FAD]  }
0x30: {  	s3 =	sld [smem:$0x3FB0]  }
0x31: {  	[smem:$0x3FB9] =	sst s10  }
0x32: {  	s10 =	sld [smem:$0x3FB7];
	_ =	sdelay $0x3  }
0x33: {  	p0 =	seq.s32 s10, $0x1;
	s10 =	sld [smem:$0x3FB9];
	_ =	sdelay $0x3  }
0x34: {  	[smem:$0x3FB9] =	sst s10  }
0x35: {  	s10 =	sld [smem:$0x3FB8];
	_ =	sdelay $0x3  }
0x36: {  	p1 =	seq.s32 s10, $0x1;
	s10 =	sld [smem:$0x3FB9];
	_ =	sdelay $0x3  }
0x37: {  	[smem:$0x3FB9] =	sst s10  }
0x38: {  	s10 =	sld [smem:$0x3FBA]  }
0x39: {  	_ = 	snop;
	(pc) =	sbr.ind lr, $3  }
0x3a: {  	_ = 	snop  }
0x3b: {  	_ = 	snop  }
0x3c: {  	p2 =	seq.s32 s10, $0x1;
	s10 =	sld [smem:$0x3FB9]  }
0x3d: {  	_ =	shalt  }
0x3e: {  	_ =	shalt  }
0x3f: {  	_ =	shalt  }
0x40: {  	_ =	shalt  }
0x41: {  	_ =	shalt  }
0x42: {  	_ =	shalt  }
0x43: {  	_ =	shalt  }
0x44: {  	_ =	shalt  }
0x45: {  	_ =	shalt  }
0x46: {  	_ =	shalt  }
0x47: {  	_ =	shalt  }
0x48: {  	_ =	shalt  }
0x49: {  	_ =	shalt  }
0x4a: {  	_ =	shalt  }
0x4b: {  	_ =	shalt  }
0x4c: {  	_ =	shalt  }
0x4d: {  	_ =	shalt  }
0x4e: {  	_ =	shalt  }
0x4f: {  	_ =	shalt  }
0x50: {  	_ =	shalt  }
0x51: {  	_ =	shalt  }
0x52: {  	_ =	shalt  }
0x53: {  	_ =	shalt  }
0x54: {  	_ =	shalt  }
0x55: {  	_ =	shalt  }
0x56: {  	_ =	shalt  }
0x57: {  	_ =	shalt  }
0x58: {  	_ =	shalt  }
0x59: {  	_ =	shalt  }
0x5a: {  	_ =	shalt  }
0x5b: {  	_ =	shalt  }
0x5c: {  	_ =	shalt  }
0x5d: {  	_ =	shalt  }
0x5e: {  	_ =	shalt  }
0x5f: {  	_ =	shalt  }
0x60: {  	_ =	shalt  }
0x61: {  	_ =	shalt  }
0x62: {  	_ =	shalt  }
0x63: {  	_ =	shalt  }
0x64: {  	_ =	shalt  }
0x65: {  	_ =	shalt  }
0x66: {  	_ =	shalt  }
0x67: {  	_ =	shalt  }
0x68: {  	_ =	shalt  }
0x69: {  	_ =	shalt  }
0x6a: {  	_ =	shalt  }
0x6b: {  	_ =	shalt  }
0x6c: {  	_ =	shalt  }
0x6d: {  	_ =	shalt  }
0x6e: {  	_ =	shalt  }
0x6f: {  	_ =	shalt  }
0x70: {  	_ =	shalt  }
0x71: {  	_ =	shalt  }
0x72: {  	_ =	shalt  }
0x73: {  	_ =	shalt  }
0x74: {  	_ =	shalt  }
0x75: {  	_ =	shalt  }
0x76: {  	_ =	shalt  }
0x77: {  	_ =	shalt  }
0x78: {  	_ =	shalt  }
0x79: {  	_ =	shalt  }
0x7a: {  	_ =	shalt  }
0x7b: {  	_ =	shalt  }
0x7c: {  	_ =	shalt  }
0x7d: {  	_ =	shalt  }
0x7e: {  	_ =	shalt  }
0x7f: {  	_ =	shalt  }
0x80: {  	_ =	shalt  }
0x81: {  	_ =	shalt  }
0x82: {  	_ =	shalt  }
0x83: {  	_ =	shalt  }
0x84: {  	_ =	shalt  }
0x85: {  	_ =	shalt  }
0x86: {  	_ =	shalt  }
0x87: {  	_ =	shalt  }
.Lfunc_end0:
.L_simem_size_0:
called_computation_lowered:
.L_overlay_start_0:
0x88: {  	s0 =	sld [smem:$0x3FD9]  }
0x89: {  	s1 =	sld [smem:$0x3FFE];
	_ =	sdelay $0x3  }
0x8a: {  	s0 =	sadd.s32 s1, s0  }
0x8b: {  	[smem:$0x3FC5] =	sst s0  }
0x8c: {  	_ = 	snop  }
0x8d: {  	s0 =	sld [smem:$0x3FD0];
	(tm) =	ssettm $0x1  }
0x8e: {  	s16 =	sld [smem:$0x3FFB];
	_ =	sdelay $0x3  }
0x8f: {  	_ =	strace s16  }
0x90: {  	s1 =	sld [smem:$0x3FFC];
	_ =	sdelay $0x3  }
0x91: {  	_ =	strace s1  }
0x92: {  	s1 =	sld [smem:$0x3FFD];
	_ =	sdelay $0x3  }
0x93: {  	_ =	strace s1  }
0x94: {  	_ =	strace $0x8FFFFFFF  }
0x95: {  	s17 =	sld [smem:$0x3FDB];
	_ =	sdelay $0x1  }
0x96: {  	s2 =	simm.s32 $_scs_section_size  }
0x97: {  	s3 =	simm.s32 $_size__tile_overlayer_lowered;
	s4 =	simm.s32 $_tile_overlayer_lowered  }
0x98: {  	s20 =	simm.s32 $0x1BFF;
	s19 =	sshll.u32 s4, $0x1;
	s1 =	sadd.s32 s2, s17  }
0x99: {  	s5 =	simm.s32 $0x0;
	s18 =	sshll.u32 s3, $0x1;
	s3 =	sadd.s32 s19, s1  }
0x9a: {  	[timem:s5], [sflag:s20] =	dma.local [hbm:s3], s18  }
0x9b: {  	_ =	swait.ge [sflag:s20], s18  }
0x9c: {  	s2 =	ssub.s32 $0x0, s18;
	[sflag:s20] =	ssyncset.done $0x0  }
0x9d: {  	[sflag:s20] =	ssyncadd.s32 s2;
	_ =	sdelay $0x1  }
0x9e: {  	s21 =	simm.s32 $0x1B8B  }
0x9f: {  	_ =	swait.ge [sflag:s21], $0x1  }
0xa0: {  	[sflag:s21] =	ssyncset.done $0x0  }
0xa1: {  	s23 =	simm.s32 $0x1B8E;
	s22 =	sld [smem:$0x3FFE];
	[sflag:s21] =	ssyncadd.s32 $0xFFFFFFFF  }
0xa2: {  	s24 =	simm.s32 $execute0_lowered;
	[smem:$0x3FD2] =	sst s23  }
0xa3: {  	s3 =	sshll.u32 s24, $0x1;
	_ =	strace $0x80000046;
	[dreg:$0x1] =	wrdreg $0xFFFFFFFF  }
0xa4: {  	s25 =	simm.s32 $_size_execute0_lowered;
	s1 =	sadd.s32 s1, s3;
	[dreg:$0x0] =	wrdreg $0x0  }
0xa5: {  	s3 =	sshll.u32 s25, $0x1;
	[dreg:$0x2] =	wrdreg s1  }
0xa6: {  	[dreg:$0x3] =	wrdreg s3  }
0xa7: {  	[dreg:$0x4] =	wrdreg $0xC0  }
0xa8: {  	_ =	task [dreg:s5], $0x5FFFF  }
0xa9: {  	[dreg:$0x1] =	wrdreg $0xFFFFFFFF  }
0xaa: {  	[dreg:$0x0] =	wrdreg $0x60  }
0xab: {  	[dreg:$0x2] =	wrdreg s22  }
0xac: {  	[dreg:$0x3] =	wrdreg s0  }
0xad: {  	[dreg:$0x4] =	wrdreg $0x9  }
0xae: {  	_ =	task.clear_ibuf [dreg:s5], $0x5FFFF;
	_ =	strace $0x90000046  }
0xaf: {  	s26 =	simm.s32 $0x9;
	_ =	strace $0x80000048  }
0xb0: {  	_ =	swait.ge [sflag:s26], $0x1  }
0xb1: {  	[sflag:s26] =	ssyncadd.s32 $0xFFFFFFFF  }
0xb2: {  	_ =	strace $0x90000048  }
0xb3: {  	_ =	sfence  }
0xb4: {  	s28 =	sld [smem:$0x0];
	_ =	sdelay $0x1  }
0xb5: {  	s29 =	srdreg.scid  }
0xb6: {  	s30 =	sshll.u32 s29, $0xD;
	s31 =	sshrl.u32 s29, $0x2  }
0xb7: {  	s2 =	sand.u32 $0x4000, s30;
	s1 =	sand.u32 $0x1, s29;
	s0 =	sadd.s32 s31, s28  }
0xb8: {  	s1 =	sor.u32 s2, s1;
	s0 =	sshll.u32 s0, $0x11  }
0xb9: {  	s0 =	sor.u32 s0, s1  }
0xba: {  	s0 =	sadd.s32 $0x8F2B, s0  }
0xbb: {  	[sflag:s0] =	ssyncadd.remote.s32 $0x1  }
0xbc: {  	_ =	sfence.sel $0xFFFF  }
0xbd: {  	[dreg:$0x0] =	wrdreg $0xFFFFFFFF;
	(pc) =	sbr.abs _section_cstart, $3  }
0xbe: {  	[dreg:$0x1] =	wrdreg $0xFFFFFFFF  }
0xbf: {  	_ =	task.clear_ibuf [dreg:s5], $0x2FFFF;
	_ =	strace $0x9FFFFFFF  }
0xc0: {  	(tm) =	ssettm $0x7FFFFFFF  }
0xc1: {  	_ =	shalt  }
tec
execute0_lowered:
.L_overlay_start_1:
0x0: {  	(tag) =	ssettag $0x1  }
0x1: {  	s0 =	stileid.u32  }
0x2: {  	s1 =	smin.u32 s0, $0x9  }
0x3: {  	s1 =	sadd.s32 s0, s1  }
0x4: {  	s2 =	simm.s32 $0xA0;
	p0 =	slt.u32 s0, $0x9;
	s1 =	smul.u32 $0x50, s1  }
0x5: {  	s2 =	simm.s32 @!p0 $0x50  }
0x6: {  	s2 =	sadd.s32 s2, s1  }
0x7: {  	s3 =	smin.u32 s2, $0x7D0  }
0x8: {  	s7 =	ssub.s32 s3, s1  }
0x9: {  	p0 =	sgt.s32 s7, $0x0  }
0xa: {  	s7 =	simm.s32 @!p0 $0x0  }
0xb: {  	s4 =	rddreg [dreg:$0x0];
	s31 =	smul.u32 $0xCCCD, s7  }
0xc: {  	s5 =	rddreg [dreg:$0x1]  }
0xd: {  	s6 =	simm.s32 $0x1;
	s10 =	simm.s32 $0x3;
	s8 =	sshrl.u32 s31, $0x16  }
0xe: {  	s13 =	simm.s32 $0x0;
	s12 =	simm.s32 $0x0;
	s9 =	smul.u32 $0x50, s8  }
.Ltmp0:
0xf: {  	s11 =	smov.u32 s1;
	s2 =	rddreg [dreg:$0x2];
	(pc) =	sbr.rel .LBB2_1-.Ltmp0, $4  }
0x10: {  	_ =	strace $0x80000047;
	p0 =	sne.s32 s7, s9;
	s9 =	simm.s32 $0x1  }
0x11: {  	[sflag:s6] =	ssyncpa.u1 $0x0;
	s7 =	simm.s32 $0x2;
	s9 =	simm.s32 @!p0 $0x0  }
0x12: {  	[sflag:s7] =	ssyncpa.u1 $0x0;
	p0 =	por $0x0, $0x0;
	s8 =	sadd.s32 s8, s9  }
0x13: {  	vm0 =	vmmov $0xff;
	vm1 =	vcmask $0x3F20;
	s9 =	sadd.s32 $0x50000, s4;
	[sflag:s10] =	ssyncpa.u1 $0x0;
	s10 =	sadd.s32 $0x1, s8  }
.LBB2_6:
0x14: {  	[hbm:s17] =	stream.linear.scatter [tilespmem:s14], [sflag:$0x3], $0x400, $0x38;
	[tilespmem:$0x50A0] =	vst v63  }
.LBB2_7:
0x15: {  	s13 =	sadd.s32 $0x50, s11  }
0x16: {  	s15 =	smov.u32 s1;
	p2 =	slt.s32 s13, s3  }
0x17: {  	s15 =	smov.u32 @p2 s13;
	p2 =	sne.s32 s12, s10  }
.Ltmp1:
0x18: {  	p1 =	slt.u32 s12, $0x2;
	(pc) =	sbr.rel @!p2 .LBB2_8-.Ltmp1, $4  }
0x19: {  	s14 =	simm.s32 @!p1 $0x3  }
0x1a: {  	s16 =	sadd.s32 $0x1, s12;
	_ =	swait.ge @!p1 [sflag:s14], $0x2800  }
0x1b: {  	p0 =	por !p0, !p0;
	s13 =	smov.u32 s11;
	[sflag:s14] =	ssyncset.done @!p1 $0x0  }
0x1c: {  	s12 =	smov.u32 s16;
	s11 =	smov.u32 s15;
	[sflag:s14] =	ssyncadd.s32 @!p1 $0xFFFFD800  }
.LBB2_1:
0x1d: {  	p1 =	sge.u32 s12, s8  }
0x1e: {  	s14 =	sxor.u32 @!p1 $0xFFFFFFFF, s12  }
0x1f: {  	s14 =	sand.u32 @!p1 $0x1, s14  }
0x20: {  	s14 =	smul.u32 @!p1 $0x140, s14  }
0x21: {  	s31 =	sadd.s32 $0xFFFFFFFF, s12;
	s15 =	sshrl.u32 @!p1 s11, $0x3  }
0x22: {  	s16 =	sand.u32 @!p1 $0x7, s11;
	s15 =	sadd.s32 @!p1 s5, s15;
	s14 =	sshrl.u32 @!p1 s14, $0x2  }
0x23: {  	[tilespmem:s14], [sflag:$0x2] =	stream.linear.gather @!p1 [hbm4b:s15+s16], $0x50, $0x38;
	[tilespmem:$0x50A0] =	vst v63  }
0x24: {  	p1 =	sge.u32 s31, s8  }
.Ltmp2:
0x25: {  	_ = 	snop;
	(pc) =	sbr.rel @p1 .LBB2_7-.Ltmp2, $1  }
0x26: {  	_ =	sdelay $0x3  }
0x27: {  	s14 =	simm.s32 $0x1  }
0x28: {  	s14 =	simm.s32 @!p0 $0x0  }
0x29: {  	s15 =	smul.u32 $0x140, s14  }
0x2a: {  	_ =	swait.ge [sflag:s7], $0x50  }
0x2b: {  	[sflag:s7] =	ssyncset.done $0x0;
	s16 =	sshrl.u32 s15, $0x2  }
0x2c: {  	[sflag:s7] =	ssyncadd.s32 $0xFFFFFFB0;
	s15 =	sadd.s32 $0x0, s16  }
0x2d: {  	v0 =	vld.msk [tilespmem:s15+$0x0 ss:$0x1], $0xffff;
	_ =	sdelay $0x4  }
0x2e: {  	vm2 =	vgt.s32 v0, $0x0  }
0x2f: {  	v0 =	vnsel vm2, $0x0, v0  }
0x30: {  	v0 =	vmin.u32 v0, $0x4FFF  }
0x31: {  	v0 =	vshll.u32 v0, $0x4  }
0x32: {  	s14 =	smul.u32 $0xA000, s14;
	_ =	sdelay $0x1  }
0x33: {  	s14 =	sshrl.u32 s14, $0x2  }
0x34: {  	s14 =	sor.u32 $0xA0, s14  }
0x35: {  	[tilespmem:s14], [sflag:$0x1] =	stream.indirect_vreg.gather [hbm:s4], $0x80, v0, vm0, $0x38;
	[tilespmem:$0x50A0] =	vst v63  }
0x36: {  	s17 =	sadd.s32 $0x10, s16;
	s15 =	sadd.s32 $0x400, s14  }
0x37: {  	[tilespmem:s15], [sflag:$0x1] =	stream.indirect_vreg.gather [hbm:s4], $0x80, v0, vm1, $0x38;
	[tilespmem:$0x50A0] =	vst v63  }
0x38: {  	s18 =	simm.s32 $0x80;
	v0 =	vld.msk [tilespmem:s17+$0x0 ss:$0x1], $0xffff;
	s17 =	smov.u32 s14  }
.LBB2_3:
0x39: {  	p1 =	sne.s32 s18, $0x100;
	_ =	sdelay $0x4  }
0x3a: {  	vm2 =	vgt.s32 v0, $0x0  }
0x3b: {  	v0 =	vnsel vm2, $0x0, v0  }
0x3c: {  	v0 =	vmin.u32 v0, $0x4FFF  }
0x3d: {  	v0 =	vshll.u32 v0, $0x4;
	_ =	sdelay $0x3  }
.Ltmp3:
0x3e: {  	s19 =	sshra.s32 s18, $0x2;
	s17 =	sadd.s32 $0x800, s17;
	(pc) =	sbr.rel @p1 .LBB2_3-.Ltmp3, $4  }
0x3f: {  	[tilespmem:s17], [sflag:$0x1] =	stream.indirect_vreg.gather [hbm:s4], $0x80, v0, vm0, $0x38;
	[tilespmem:$0x50A0] =	vst v63  }
0x40: {  	s19 =	sadd.s32 s19, s16;
	s20 =	sadd.s32 $0x400, s17  }
0x41: {  	[tilespmem:s20], [sflag:$0x1] =	stream.indirect_vreg.gather [hbm:s4], $0x80, v0, vm1, $0x38;
	[tilespmem:$0x50A0] =	vst v63  }
0x42: {  	s18 =	sadd.s32 $0x40, s18;
	v0 =	vld.msk [tilespmem:s19+$0x0 ss:$0x1], $0xffff  }
0x43: {  	_ =	sdelay $0x3  }
0x44: {  	vm2 =	vgt.s32 v0, $0x0  }
0x45: {  	v0 =	vnsel vm2, $0x0, v0  }
0x46: {  	v0 =	vmin.u32 v0, $0x4FFF  }
0x47: {  	v0 =	vshll.u32 v0, $0x4;
	_ =	sdelay $0x3  }
0x48: {  	s16 =	sadd.s32 $0x800, s17  }
0x49: {  	[tilespmem:s16], [sflag:$0x1] =	stream.indirect_vreg.gather [hbm:s4], $0x80, v0, vm0, $0x38;
	[tilespmem:$0x50A0] =	vst v63  }
0x4a: {  	s16 =	sadd.s32 $0x400, s16  }
0x4b: {  	[tilespmem:s16], [sflag:$0x1] =	stream.indirect_vreg.gather [hbm:s4], $0x80, v0, vm1, $0x38;
	[tilespmem:$0x50A0] =	vst v63  }
0x4c: {  	s13 =	sshll.u32 s13, $0x4;
	_ =	swait.ge [sflag:s6], $0x2800  }
0x4d: {  	s13 =	sadd.s32 s13, s9;
	[sflag:s6] =	ssyncset.done $0x0  }
0x4e: {  	s17 =	sadd.s32 $0x0, s13;
	s16 =	simm.s32 $0x80;
	[sflag:s6] =	ssyncadd.s32 $0xFFFFD800  }
.LBB2_5:
0x4f: {  	[hbm:s17] =	stream.linear.scatter [tilespmem:s14], [sflag:$0x3], $0x400, $0x38;
	[tilespmem:$0x50A0] =	vst v63  }
0x50: {  	s17 =	smov.u32 s16;
	s14 =	smov.u32 s15;
	p1 =	sne.s32 s16, $0x480  }
.Ltmp4:
0x51: {  	s16 =	sadd.s32 $0x80, s16;
	(pc) =	sbr.rel @p1 .LBB2_5-.Ltmp4, $2  }
0x52: {  	_ =	sdelay $0x2  }
0x53: {  	s15 =	sadd.s32 $0x400, s15;
	s17 =	sadd.s32 s17, s13  }
.Ltmp5:
0x54: {  	_ = 	snop;
	(pc) =	sbr.rel .LBB2_6-.Ltmp5, $1  }
0x55: {  	_ =	sdelay $0x3  }
.LBB2_8:
0x56: {  	_ =	sfence.sel $0x180000  }
0x57: {  	s1 =	simm.s32 $0x2;
	[bflag:$0x0] =	sbarrier.arrive $0xFFFF  }
0x58: {  	s30 =	simm.s32 $0x3;
	[sflag:s1] =	ssyncpa.u1 $0x1  }
0x59: {  	s31 =	simm.s32 $0x1;
	[sflag:s30] =	ssyncpa.u1 $0x1  }
0x5a: {  	[sflag:s31] =	ssyncpa.u1 $0x1  }
0x5b: {  	p0 =	sne.s32 s0, $0x0;
	_ =	strace $0x90000047  }
0x5c: {  	s0 =	sadd.s32 @!p0 $0x100000, s2;
	[bflag:$0x2] =	sbarrier.arrive $0xFFFF  }
0x5d: {  	[sflag:s0] =	ssyncadd.tile.s32 @!p0 $0x1;
	_ =	shalt  }
.Lfunc_end2:
_tile_overlayer_lowered:
.L_overlay_start_2:
0x5e: {  	(tag) =	ssettag $0x2  }
0x5f: {  	s0 =	rddreg [dreg:$0x0];
	s2 =	stileid.u32  }
0x60: {  	s1 =	rddreg [dreg:$0x1];
	p0 =	sne.s32 s2, $0x0  }
0x61: {  	s3 =	rddreg [dreg:$0x2];
	[bflag:$0x3] =	sbarrier.arrive $0xFFFF;
	s2 =	simm.s32 @!p0 $0x1C01  }
0x62: {  	[timem:s3], [sflag:s2] =	dma.local @!p0 [hbm:s0], s1  }
0x63: {  	s0 =	simm.s32 @!p0 $0x1  }
0x64: {  	_ =	swait.ge @!p0 [sflag:s0], s1  }
0x65: {  	s1 =	ssub.s32 @!p0 $0x0, s1;
	[sflag:s0] =	ssyncset.done @!p0 $0x0  }
0x66: {  	[sflag:s0] =	ssyncadd.s32 @!p0 s1  }
0x67: {  	[bflag:$0x3] =	sbarrier.arrive $0xFFFF  }
0x68: {  	_ =	shalt  }

// kernel: kernel.5.cloned.1.call-start
scs
__scs_entry_jumppad:
0x0: {  	(pc) =	sbr.rel $0x88, $3  }
0x1: {  	(tag) =	ssettag $0x0;
	lr =	simm.s32 $0x1  }
0x2: {  	[smem:$0x3F9E] =	sst lr;
	_ =	strace $0xD0000000  }
0x3: {  	_ = 	snop  }
0x4: {  	_ = 	snop  }
0x5: {  	_ = 	snop  }
0x6: {  	_ = 	snop  }
0x7: {  	_ = 	snop  }
__scs_overlays_trampoline_lowered:
0x8: {  	[smem:$0x3FAD] =	sst s0  }
0x9: {  	[smem:$0x3FAE] =	sst s1  }
0xa: {  	[smem:$0x3FAF] =	sst s2  }
0xb: {  	[smem:$0x3FB0] =	sst s3  }
0xc: {  	[smem:$0x3FB1] =	sst s4  }
0xd: {  	[smem:$0x3FB2] =	sst s5  }
0xe: {  	[smem:$0x3FB3] =	sst s6  }
0xf: {  	[smem:$0x3FB4] =	sst s7  }
0x10: {  	[smem:$0x3FB5] =	sst s8  }
0x11: {  	[smem:$0x3FB6] =	sst s9;
	s0 =	simm.s32 @!p0 $0x0  }
0x12: {  	s1 =	sld [smem:$0x3F9C];
	s0 =	simm.s32 @p0 $0x1  }
0x13: {  	[smem:$0x3FB7] =	sst s0;
	s0 =	simm.s32 @!p1 $0x0  }
0x14: {  	s2 =	sld [smem:$0x3F9B];
	s0 =	simm.s32 @p1 $0x1  }
0x15: {  	[smem:$0x3FB8] =	sst s0;
	s0 =	simm.s32 @!p2 $0x0  }
0x16: {  	s3 =	sld [smem:$0x3FDB];
	s0 =	simm.s32 @p2 $0x1  }
0x17: {  	s4 =	simm.s32 $0x1BF5;
	[smem:$0x3FBA] =	sst s0  }
0x18: {  	s0 =	sld [smem:$0x3F9D];
	_ =	swait.ge [sflag:s4], $0x0  }
0x19: {  	s7 =	sld [smem:$0x3F9E]  }
0x1a: {  	s8 =	sadd.s32 $0xFFFFE003, lr  }
0x1b: {  	s9 =	sadd.s32 $0xFFFFFEF7, lr;
	s5 =	simm.s32 $0xFFFFFFFF;
	p2 =	slt.u32 s8, $0xFFFFF086  }
0x1c: {  	p1 =	slt.u32 s9, $0xF7A;
	s5 =	simm.s32 @!p2 $0x0  }
0x1d: {  	s5 =	simm.s32 @p1 $0x1;
	p0 =	seq.s32 s7, s2  }
0x1e: {  	s7 =	smul.u32 @!p0 $0xF7A, s2;
	p2 =	seq.s32 @!p0 s5, $0x0  }
0x1f: {  	s9 =	smul.u32 $0xF7A, s1;
	s8 =	simm.s32 @!p0 $0x1BF5;
	p2 =	por !p2, p0  }
0x20: {  	[sflag:s8] =	ssyncset.s32 @!p0 $0xFFFFF086;
	s6 =	sadd.s32 @!p0 s3, s7;
	s7 =	simm.s32 @!p0 $0x108  }
0x21: {  	s3 =	sadd.s32 s3, s9;
	s6 =	sadd.s32 @!p0 $0x88, s6;
	s7 =	simm.s32 @p2 $0x1082  }
0x22: {  	[simem:s7], [sflag:s8] =	dma.local @!p0 [hbm:s6], $0xF7A  }
0x23: {  	s9 =	sor.u32 $0xD0000000, s2;
	s6 =	simm.s32 $0x108;
	_ =	swait.ge @!p0 [sflag:s8], $0x0  }
0x24: {  	s3 =	sadd.s32 $0x88, s3;
	s6 =	simm.s32 @!p1 $0x1082;
	[sflag:s4] =	ssyncset.s32 $0xFFFFF086  }
0x25: {  	[simem:s6], [sflag:s4] =	dma.local [hbm:s3], $0xF7A  }
0x26: {  	[smem:$0x3F9E] =	sst s1;
	(tag) =	ssettag s2;
	_ =	strace s9  }
0x27: {  	s1 =	sld [smem:$0x3FAE]  }
0x28: {  	s2 =	sld [smem:$0x3FAF]  }
0x29: {  	s4 =	sld [smem:$0x3FB1]  }
0x2a: {  	p0 =	seq.s32 s5, $0x0;
	s5 =	sld [smem:$0x3FB2]  }
0x2b: {  	s6 =	sld [smem:$0x3FB3]  }
0x2c: {  	s7 =	sld [smem:$0x3FB4]  }
0x2d: {  	s3 =	simm.s32 $0x108;
	s8 =	sld [smem:$0x3FB5]  }
0x2e: {  	s3 =	simm.s32 @!p0 $0x1082;
	s9 =	sld [smem:$0x3FB6]  }
0x2f: {  	lr =	sadd.s32 s0, s3;
	s0 =	sld [smem:$0x3FAD]  }
0x30: {  	s3 =	sld [smem:$0x3FB0]  }
0x31: {  	[smem:$0x3FB9] =	sst s10  }
0x32: {  	s10 =	sld [smem:$0x3FB7];
	_ =	sdelay $0x3  }
0x33: {  	p0 =	seq.s32 s10, $0x1;
	s10 =	sld [smem:$0x3FB9];
	_ =	sdelay $0x3  }
0x34: {  	[smem:$0x3FB9] =	sst s10  }
0x35: {  	s10 =	sld [smem:$0x3FB8];
	_ =	sdelay $0x3  }
0x36: {  	p1 =	seq.s32 s10, $0x1;
	s10 =	sld [smem:$0x3FB9];
	_ =	sdelay $0x3  }
0x37: {  	[smem:$0x3FB9] =	sst s10  }
0x38: {  	s10 =	sld [smem:$0x3FBA]  }
0x39: {  	_ = 	snop;
	(pc) =	sbr.ind lr, $3  }
0x3a: {  	_ = 	snop  }
0x3b: {  	_ = 	snop  }
0x3c: {  	p2 =	seq.s32 s10, $0x1;
	s10 =	sld [smem:$0x3FB9]  }
0x3d: {  	_ =	shalt  }
0x3e: {  	_ =	shalt  }
0x3f: {  	_ =	shalt  }
0x40: {  	_ =	shalt  }
0x41: {  	_ =	shalt  }
0x42: {  	_ =	shalt  }
0x43: {  	_ =	shalt  }
0x44: {  	_ =	shalt  }
0x45: {  	_ =	shalt  }
0x46: {  	_ =	shalt  }
0x47: {  	_ =	shalt  }
0x48: {  	_ =	shalt  }
0x49: {  	_ =	shalt  }
0x4a: {  	_ =	shalt  }
0x4b: {  	_ =	shalt  }
0x4c: {  	_ =	shalt  }
0x4d: {  	_ =	shalt  }
0x4e: {  	_ =	shalt  }
0x4f: {  	_ =	shalt  }
0x50: {  	_ =	shalt  }
0x51: {  	_ =	shalt  }
0x52: {  	_ =	shalt  }
0x53: {  	_ =	shalt  }
0x54: {  	_ =	shalt  }
0x55: {  	_ =	shalt  }
0x56: {  	_ =	shalt  }
0x57: {  	_ =	shalt  }
0x58: {  	_ =	shalt  }
0x59: {  	_ =	shalt  }
0x5a: {  	_ =	shalt  }
0x5b: {  	_ =	shalt  }
0x5c: {  	_ =	shalt  }
0x5d: {  	_ =	shalt  }
0x5e: {  	_ =	shalt  }
0x5f: {  	_ =	shalt  }
0x60: {  	_ =	shalt  }
0x61: {  	_ =	shalt  }
0x62: {  	_ =	shalt  }
0x63: {  	_ =	shalt  }
0x64: {  	_ =	shalt  }
0x65: {  	_ =	shalt  }
0x66: {  	_ =	shalt  }
0x67: {  	_ =	shalt  }
0x68: {  	_ =	shalt  }
0x69: {  	_ =	shalt  }
0x6a: {  	_ =	shalt  }
0x6b: {  	_ =	shalt  }
0x6c: {  	_ =	shalt  }
0x6d: {  	_ =	shalt  }
0x6e: {  	_ =	shalt  }
0x6f: {  	_ =	shalt  }
0x70: {  	_ =	shalt  }
0x71: {  	_ =	shalt  }
0x72: {  	_ =	shalt  }
0x73: {  	_ =	shalt  }
0x74: {  	_ =	shalt  }
0x75: {  	_ =	shalt  }
0x76: {  	_ =	shalt  }
0x77: {  	_ =	shalt  }
0x78: {  	_ =	shalt  }
0x79: {  	_ =	shalt  }
0x7a: {  	_ =	shalt  }
0x7b: {  	_ =	shalt  }
0x7c: {  	_ =	shalt  }
0x7d: {  	_ =	shalt  }
0x7e: {  	_ =	shalt  }
0x7f: {  	_ =	shalt  }
0x80: {  	_ =	shalt  }
0x81: {  	_ =	shalt  }
0x82: {  	_ =	shalt  }
0x83: {  	_ =	shalt  }
0x84: {  	_ =	shalt  }
0x85: {  	_ =	shalt  }
0x86: {  	_ =	shalt  }
0x87: {  	_ =	shalt  }
.Lfunc_end0:
.L_simem_size_0:
called_computation.1_lowered:
.L_overlay_start_0:
0x88: {  	s2 =	sld [smem:$0x3FD9]  }
0x89: {  	s3 =	sld [smem:$0x3FFE];
	_ =	sdelay $0x1  }
0x8a: {  	s1 =	srdreg.scid  }
0x8b: {  	s0 =	sand.u32 $0x1, s1  }
0x8c: {  	s17 =	sshll.u32 s0, $0xA;
	s2 =	sadd.s32 s3, s2  }
0x8d: {  	s2 =	sadd.s32 s2, s17  }
0x8e: {  	[smem:$0x3FC5] =	sst s2  }
0x8f: {  	_ = 	snop  }
0x90: {  	s2 =	sld [smem:$0x3FD0];
	(tm) =	ssettm $0x1  }
0x91: {  	s18 =	sld [smem:$0x3FFB];
	_ =	sdelay $0x3  }
0x92: {  	_ =	strace s18  }
0x93: {  	s3 =	sld [smem:$0x3FFC];
	_ =	sdelay $0x3  }
0x94: {  	_ =	strace s3  }
0x95: {  	s3 =	sld [smem:$0x3FFD];
	_ =	sdelay $0x3  }
0x96: {  	_ =	strace s3  }
0x97: {  	_ =	strace $0x8FFFFFFF  }
0x98: {  	s19 =	sld [smem:$0x3FDB];
	_ =	sdelay $0x1  }
0x99: {  	s4 =	simm.s32 $_scs_section_size  }
0x9a: {  	s5 =	simm.s32 $_size__tile_overlayer_lowered;
	s6 =	simm.s32 $_tile_overlayer_lowered  }
0x9b: {  	s22 =	simm.s32 $0x1BFF;
	s21 =	sshll.u32 s6, $0x1;
	s3 =	sadd.s32 s4, s19  }
0x9c: {  	s7 =	simm.s32 $0x0;
	s20 =	sshll.u32 s5, $0x1;
	s5 =	sadd.s32 s21, s3  }
0x9d: {  	[timem:s7], [sflag:s22] =	dma.local [hbm:s5], s20  }
0x9e: {  	_ =	swait.ge [sflag:s22], s20  }
0x9f: {  	s4 =	ssub.s32 $0x0, s20;
	[sflag:s22] =	ssyncset.done $0x0  }
0xa0: {  	[sflag:s22] =	ssyncadd.s32 s4;
	_ =	sdelay $0x1  }
0xa1: {  	s23 =	simm.s32 $0x1B8B  }
0xa2: {  	_ =	swait.ge [sflag:s23], $0x1  }
0xa3: {  	[sflag:s23] =	ssyncset.done $0x0  }
0xa4: {  	s25 =	simm.s32 $0x1B8E;
	s24 =	sld [smem:$0x3FFE];
	[sflag:s23] =	ssyncadd.s32 $0xFFFFFFFF  }
0xa5: {  	s26 =	simm.s32 $execute0_lowered;
	[smem:$0x3FD2] =	sst s25  }
0xa6: {  	s5 =	sshll.u32 s26, $0x1;
	_ =	strace $0x80000049;
	[dreg:$0x1] =	wrdreg $0xFFFFFFFF  }
0xa7: {  	s28 =	simm.s32 $_size_execute0_lowered;
	s3 =	sadd.s32 s3, s5;
	[dreg:$0x0] =	wrdreg $0x0  }
0xa8: {  	s5 =	sshll.u32 s28, $0x1;
	[dreg:$0x2] =	wrdreg s3  }
0xa9: {  	[dreg:$0x3] =	wrdreg s5  }
0xaa: {  	[dreg:$0x4] =	wrdreg $0xC0  }
0xab: {  	_ =	task [dreg:s7], $0x5FFFF  }
0xac: {  	[dreg:$0x1] =	wrdreg $0xFFFFFFFF  }
0xad: {  	[dreg:$0x0] =	wrdreg $0x60  }
0xae: {  	[dreg:$0x2] =	wrdreg s24  }
0xaf: {  	[dreg:$0x3] =	wrdreg s2  }
0xb0: {  	[dreg:$0x4] =	wrdreg $0x9  }
0xb1: {  	_ =	task.clear_ibuf [dreg:s7], $0x5FFFF;
	_ =	strace $0x90000049  }
0xb2: {  	s29 =	simm.s32 $0x9;
	_ =	strace $0x8000004B  }
0xb3: {  	_ =	swait.ge [sflag:s29], $0x1  }
0xb4: {  	[sflag:s29] =	ssyncadd.s32 $0xFFFFFFFF  }
0xb5: {  	_ =	strace $0x9000004B  }
0xb6: {  	_ =	sfence  }
0xb7: {  	s30 =	sld [smem:$0x0];
	_ =	sdelay $0x2  }
0xb8: {  	s31 =	sshll.u32 s1, $0xD;
	s1 =	sshrl.u32 s1, $0x2  }
0xb9: {  	s3 =	sand.u32 $0x4000, s31;
	s1 =	sadd.s32 s1, s30  }
0xba: {  	s0 =	sor.u32 s3, s0;
	s1 =	sshll.u32 s1, $0x11  }
0xbb: {  	s0 =	sor.u32 s1, s0  }
0xbc: {  	s0 =	sadd.s32 $0x8F2B, s0  }
0xbd: {  	[sflag:s0] =	ssyncadd.remote.s32 $0x1  }
0xbe: {  	_ =	sfence.sel $0xFFFF  }
0xbf: {  	[dreg:$0x0] =	wrdreg $0xFFFFFFFF;
	(pc) =	sbr.abs _section_cstart, $3  }
0xc0: {  	[dreg:$0x1] =	wrdreg $0xFFFFFFFF  }
0xc1: {  	_ =	task.clear_ibuf [dreg:s7], $0x2FFFF;
	_ =	strace $0x9FFFFFFF  }
0xc2: {  	(tm) =	ssettm $0x7FFFFFFF  }
0xc3: {  	_ =	shalt  }
tec
execute0_lowered:
.L_overlay_start_1:
0x0: {  	(tag) =	ssettag $0x1  }
0x1: {  	s1 =	srdreg.scid;
	s2 =	rddreg [dreg:$0x0]  }
0x2: {  	s0 =	stileid.u32;
	s4 =	rddreg [dreg:$0x1];
	s6 =	sand.u32 $0x1, s1  }
0x3: {  	s3 =	simm.s32 $0x0;
	s5 =	sshll.u32 s0, $0x6;
	s7 =	sshll.u32 s6, $0x5  }
0x4: {  	[smem:$0x7FF] =	sst s3;
	s9 =	sor.u32 s7, s5  }
0x5: {  	s1 =	rddreg [dreg:$0x2];
	_ =	strace $0x8000004A;
	s5 =	sshrl.u32 s9, $0x3  }
0x6: {  	s10 =	ssub.s32 $0x2, s6;
	s5 =	sadd.s32 s4, s5;
	s4 =	simm.s32 $0x2  }
0x7: {  	[tilespmem:s3], [sflag:$0x2] =	stream.linear.gather [hbm4b:s5+s3], $0x20, $0x38;
	[tilespmem:$0x1080] =	vst v63  }
0x8: {  	s8 =	simm.s32 $0x1;
	s11 =	sshrl.u32 s10, $0x1;
	_ =	swait.ge [sflag:s4], $0x20  }
0x9: {  	s6 =	simm.s32 $0x20;
	s10 =	ssub.s32 s10, s11;
	[sflag:s4] =	ssyncset.done $0x0  }
0xa: {  	s7 =	simm.s32 $0x80;
	s10 =	smax.u32 s10, $0x1;
	[sflag:s4] =	ssyncadd.s32 $0xFFFFFFE0  }
0xb: {  	[tilespmem:s7], [sflag:$0x1] =	stream.indirect.gather [hbm4b:s2+s6], $0x80, s3, s6, $0xb8;
	[tilespmem:$0x1080] =	vst v63  }
0xc: {  	s9 =	sshll.u32 s9, $0x4;
	p0 =	sne.s32 s10, $0x1;
	_ =	swait.ge [sflag:s8], $0x1000  }
.Ltmp0:
0xd: {  	s9 =	sadd.s32 s9, s2;
	[sflag:s8] =	ssyncset.done $0x0;
	(pc) =	sbr.rel @!p0 .LBB2_2-.Ltmp0, $4  }
0xe: {  	s9 =	sadd.s32 $0x8000, s9;
	[sflag:s8] =	ssyncadd.s32 $0xFFFFF000  }
0xf: {  	[hbm4b:s9+s3] =	stream.linear.scatter [tilespmem:s7], [sflag:$0x2], $0x1000, $0x38;
	[tilespmem:$0x1080] =	vst v63  }
0x10: {  	_ =	swait.ge [sflag:s4], $0x1000  }
0x11: {  	s10 =	sadd.s32 $0xFFFFFFFF, s10;
	[sflag:s4] =	ssyncset.done $0x0  }
.LBB2_1:
0x12: {  	p0 =	sne.s32 s10, $0x1;
	s10 =	sadd.s32 $0xFFFFFFFF, s10;
	[sflag:s4] =	ssyncadd.s32 $0xFFFFF000  }
0x13: {  	[tilespmem:s3], [sflag:$0x2] =	stream.linear.gather [hbm4b:s5+s3], $0x20, $0x38;
	[tilespmem:$0x1080] =	vst v63  }
0x14: {  	_ =	swait.ge [sflag:s4], $0x20  }
0x15: {  	[sflag:s4] =	ssyncset.done $0x0  }
0x16: {  	[sflag:s4] =	ssyncadd.s32 $0xFFFFFFE0  }
0x17: {  	[tilespmem:s7], [sflag:$0x1] =	stream.indirect.gather [hbm4b:s2+s6], $0x80, s3, s6, $0xb8;
	[tilespmem:$0x1080] =	vst v63  }
0x18: {  	_ =	swait.ge [sflag:s8], $0x1000  }
.Ltmp1:
0x19: {  	[sflag:s8] =	ssyncset.done $0x0;
	(pc) =	sbr.rel @p0 .LBB2_1-.Ltmp1, $4  }
0x1a: {  	[sflag:s8] =	ssyncadd.s32 $0xFFFFF000  }
0x1b: {  	[hbm4b:s9+s3] =	stream.linear.scatter [tilespmem:s7], [sflag:$0x2], $0x1000, $0x38;
	[tilespmem:$0x1080] =	vst v63  }
0x1c: {  	_ =	swait.ge [sflag:s4], $0x1000  }
0x1d: {  	[sflag:s4] =	ssyncset.done $0x0  }
.LBB2_2:
0x1e: {  	[sflag:s4] =	ssyncadd.s32 $0xFFFFF000  }
0x1f: {  	_ =	sfence.sel $0x180000  }
0x20: {  	[bflag:$0x0] =	sbarrier.arrive $0xFFFF  }
0x21: {  	p0 =	sne.s32 s0, $0x0;
	_ =	strace $0x9000004A  }
0x22: {  	s0 =	sadd.s32 @!p0 $0x100000, s1;
	[bflag:$0x2] =	sbarrier.arrive $0xFFFF  }
0x23: {  	[sflag:s0] =	ssyncadd.tile.s32 @!p0 $0x1;
	_ =	shalt  }
.Lfunc_end2:
_tile_overlayer_lowered:
.L_overlay_start_2:
0x24: {  	(tag) =	ssettag $0x2  }
0x25: {  	s0 =	rddreg [dreg:$0x0];
	s2 =	stileid.u32  }
0x26: {  	s1 =	rddreg [dreg:$0x1];
	p0 =	sne.s32 s2, $0x0  }
0x27: {  	s3 =	rddreg [dreg:$0x2];
	[bflag:$0x3] =	sbarrier.arrive $0xFFFF;
	s2 =	simm.s32 @!p0 $0x1C02  }
0x28: {  	[timem:s3], [sflag:s2] =	dma.local @!p0 [hbm:s0], s1  }
0x29: {  	s0 =	simm.s32 @!p0 $0x2  }
0x2a: {  	_ =	swait.ge @!p0 [sflag:s0], s1  }
0x2b: {  	s1 =	ssub.s32 @!p0 $0x0, s1;
	[sflag:s0] =	ssyncset.done @!p0 $0x0  }
0x2c: {  	[sflag:s0] =	ssyncadd.s32 @!p0 s1  }
0x2d: {  	[bflag:$0x3] =	sbarrier.arrive $0xFFFF  }
0x2e: {  	_ =	shalt  }

</sc_bundles>
